<compile_context>
chip_gen: v7x
topology: tpu7x:2x2x1
jax: 0.10.2.dev20260603
libtpu: 0.0.44.dev20260713+nightly
codegen_flags: <defaults>
</compile_context>

<pallas_src>
import functools

import numpy as np
import jax
import jax.numpy as jnp
from jax import lax
from jax.experimental import pallas as pl
from jax.experimental.pallas import tpu as pltpu
from jax.experimental.pallas import tpu_sc as plsc

_B, _C, _H, _W = 8, 64, 32, 32
_HW = _H * _W
_NEG = 256
_TEMP = 2.0
_FACTOR = 0.8
_EPS = 1e-8
_PB = 256
_NPB = _HW // _PB
_NTILES = 32
_RPT = _B * _HW // _NTILES
_CHUNK = 64
_NCHUNKS = _RPT // _CHUNK
_NVEC = _NEG // 16


_U32 = np.uint32


def _tf2x32(k1, k2, x0, x1):
    rot = lambda x, d: ((x << _U32(d)) | (x >> _U32(32 - d))).astype(_U32)
    ks = [k1, k2, (k1 ^ k2 ^ _U32(0x1BD11BDA)).astype(_U32)]
    rr = [[13, 15, 26, 6], [17, 29, 16, 24]]
    x0 = (x0 + ks[0]).astype(_U32)
    x1 = (x1 + ks[1]).astype(_U32)
    for i in range(5):
        for r in rr[i % 2]:
            x0 = (x0 + x1).astype(_U32)
            x1 = rot(x1, r)
            x1 = (x0 ^ x1).astype(_U32)
        x0 = (x0 + ks[(i + 1) % 3]).astype(_U32)
        x1 = (x1 + ks[(i + 2) % 3] + _U32(i + 1)).astype(_U32)
    return x0, x1


def _tf_split2(key):
    b1, b2 = _tf2x32(key[0], key[1], np.zeros(2, _U32), np.arange(2, dtype=_U32))
    return np.stack([b1, b2], axis=1)


def _tf_fold_in(key, i):
    w0, w1 = _tf2x32(key[0], key[1], _U32(0), _U32(i))
    return np.array([w0, w1], _U32)


def _tf_randint_pow2(key, n, span):
    _, k2 = _tf_split2(key)
    counts = np.arange(n, dtype=np.uint64)
    b1, b2 = _tf2x32(k2[0], k2[1],
                     (counts >> np.uint64(32)).astype(_U32),
                     (counts & np.uint64(0xFFFFFFFF)).astype(_U32))
    return ((b1 ^ b2) % _U32(span)).astype(np.int32)


def _build_constants():
    idx = np.zeros((_B, _HW, _NEG), np.int32)
    eucw = np.zeros((_B, _HW), np.float32)
    hh = np.arange(_HW) // _W
    ww = np.arange(_HW) % _W
    cnt = np.zeros((_B, _HW, _HW), np.float32)
    rowbase = np.arange(_HW, dtype=np.int64)[:, None] * _HW
    base_key = np.array([0, 42], _U32)
    for i in range(_B):
        kk = _tf_fold_in(base_key, i)
        ka, kb = _tf_split2(kk)
        nh = _tf_randint_pow2(ka, _HW * _NEG, _H).reshape(_HW, _NEG)
        nw = _tf_randint_pow2(kb, _HW * _NEG, _W).reshape(_HW, _NEG)
        idx[i] = nh * _W + nw
        d2 = (hh[:, None] - nh) ** 2 + (ww[:, None] - nw) ** 2
        eucw[i] = np.sqrt(d2.sum(1)) / np.sqrt((_H - 1.0) ** 2 + (_W - 1.0) ** 2)
        flat = (rowbase + idx[i]).ravel()
        cnt[i] = np.bincount(flat, minlength=_HW * _HW).reshape(_HW, _HW)
    return idx, eucw, cnt


_IDX_NP, _EUCW_NP, _CNT_NP = _build_constants()
_raw = _IDX_NP.reshape(_B * _HW, _NEG).astype(np.int64)
_p64 = (np.arange(_B * _HW, dtype=np.int64) % _CHUNK)[:, None]
_x = _raw & (_HW // 2 - 1)
_packed = ((((_x >> 7) * 64 + _p64) << 7) | (_x & 127)
           | ((_raw < _HW // 2).astype(np.int64) << 31)).astype(np.uint64)
_IDX = np.ascontiguousarray(
    _packed.reshape(-1).astype(np.uint32).view(np.int32))
_EUCW = np.ascontiguousarray((_EUCW_NP * _FACTOR).reshape(_B * _NPB, 1, _PB))
_CNT = _CNT_NP


def _prep_body(z1_ref, z2_ref, imgf_ref, imgp_ref, cnt_ref, euc_ref,
               v_ref, p0_ref):
    z1 = z1_ref[0]
    z2 = z2_ref[0]
    imgf = imgf_ref[...]
    imgp = imgp_ref[...]
    cntb = cnt_ref[0]
    euc = euc_ref[0]

    n1sq = jnp.sum(z1 * z1, axis=0, keepdims=True)
    n2sq = jnp.sum(z2 * z2, axis=0, keepdims=True)

    g = lax.dot_general(z1, z2, (((0,), (0,)), ((), ())),
                        preferred_element_type=jnp.float32)

    s_row = jnp.sum(imgf * imgf, axis=0, keepdims=True)
    m4 = jnp.concatenate([s_row, imgf], axis=0)
    t4 = lax.dot_general(m4, cntb, (((1,), (1,)), ((), ())),
                         preferred_element_type=jnp.float32)
    s_p = jnp.sum(imgp * imgp, axis=0, keepdims=True)
    rgbsq = _NEG * s_p + t4[0:1, :] - 2.0 * jnp.sum(
        imgp * t4[1:4, :], axis=0, keepdims=True)
    rgb = jnp.sqrt(jnp.maximum(rgbsq, 0.0))
    w_row = euc + rgb * ((1.0 - _FACTOR) / np.sqrt(3.0))

    n1col = jnp.transpose(jnp.sqrt(n1sq))
    wcol = jnp.transpose(w_row)
    den = jnp.maximum(n1col * jnp.sqrt(n2sq), _EPS)
    v = jnp.minimum(jnp.abs(g) * wcol / den, 1.0)

    def _bf16_bits(x):
        b = lax.bitcast_convert_type(x, jnp.int32)
        return lax.shift_right_logical(
            b + 0x7FFF + (lax.shift_right_logical(b, 16) & 1), 16)

    for t in range(_HW // 2 // 128):
        lo = _bf16_bits(v[:, t * 128:(t + 1) * 128])
        hi = _bf16_bits(v[:, _HW // 2 + t * 128:_HW // 2 + (t + 1) * 128])
        word = lo | lax.shift_left(hi, 16)
        for p64b in range(_PB // _CHUNK):
            v_ref[0, pl.ds(p64b * 256 + t * _CHUNK, _CHUNK), :] = (
                word[p64b * _CHUNK:(p64b + 1) * _CHUNK, :])

    ratio = jnp.minimum(n1sq / jnp.maximum(n1sq, _EPS), 1.0)
    p0_ref[...] = jnp.full((1, 1, 128), jnp.sum(ratio), jnp.float32)


_prep = pl.pallas_call(
    _prep_body,
    grid=(_B, _NPB),
    in_specs=[
        pl.BlockSpec((1, _C, _PB), lambda i, pb: (i, 0, pb)),
        pl.BlockSpec((1, _C, _HW), lambda i, pb: (i, 0, 0)),
        pl.BlockSpec((3, _HW), lambda i, pb: (0, 0)),
        pl.BlockSpec((3, _PB), lambda i, pb: (0, pb)),
        pl.BlockSpec((1, _PB, _HW), lambda i, pb: (i, pb, 0)),
        pl.BlockSpec((1, 1, _PB), lambda i, pb: (i * _NPB + pb, 0, 0)),
    ],
    out_specs=[
        pl.BlockSpec((1, _HW, 128), lambda i, pb: (i * _NPB + pb, 0, 0)),
        pl.BlockSpec((1, 1, 128), lambda i, pb: (i * _NPB + pb, 0, 0)),
    ],
    out_shape=[
        jax.ShapeDtypeStruct((_B * _NPB, _HW, 128), jnp.int32),
        jax.ShapeDtypeStruct((_B * _NPB, 1, 128), jnp.float32),
    ],
)


_VROWS = _CHUNK * 4
_IB = _CHUNK * _NEG


@functools.cache
def _make_sc_gather():
    mesh = plsc.VectorSubcoreMesh(core_axis_name="c", subcore_axis_name="s")
    return functools.partial(
        pl.kernel,
        mesh=mesh,
        out_type=jax.ShapeDtypeStruct((_NTILES * _NEG,), jnp.float32),
        scratch_types=[
            pltpu.VMEM((2, _VROWS, 128), jnp.int32),
            pltpu.VMEM((2 * _IB,), jnp.int32),
            pltpu.VMEM((_NEG,), jnp.float32),
            pltpu.SemaphoreType.DMA,
            pltpu.SemaphoreType.DMA,
            pltpu.SemaphoreType.DMA,
            pltpu.SemaphoreType.DMA,
        ],
        compiler_params=pltpu.CompilerParams(needs_layout_passes=False),
    )(_sc_gather_body)


def _sc_gather_body(v_hbm, idx_hbm, out_hbm, vbuf, ibuf, accbuf,
                    sv0, si0, sv1, si1):
    wid = lax.axis_index("s") * 2 + lax.axis_index("c")
    sems = ((sv0, si0), (sv1, si1))

    def copies(ch, slot):
        sv, si = sems[slot]
        return (
            pltpu.make_async_copy(
                v_hbm.at[pl.ds(wid * _HW + ch * _VROWS, _VROWS)],
                vbuf.at[slot], sv),
            pltpu.make_async_copy(
                idx_hbm.at[pl.ds((wid * _RPT + ch * _CHUNK) * _NEG, _IB)],
                ibuf.at[pl.ds(slot * _IB, _IB)], si),
        )

    def issue(ch, slot):
        for c in copies(ch, slot):
            c.start()

    def wait(ch, slot):
        for c in copies(ch, slot):
            c.wait()

    def compute(slot, accs):
        def row_body(r, accs_t):
            accs_l = list(accs_t)
            for k in range(_NVEC):
                pw = ibuf[pl.ds(slot * _IB + r * _NEG + k * 16, 16)]
                qv = lax.shift_right_logical(pw, jnp.int32(7)) & jnp.int32(255)
                cv = pw & jnp.int32(127)
                sh = lax.shift_right_logical(pw, jnp.int32(27))
                w = plsc.load_gather(vbuf.at[slot], [qv, cv])
                fb = lax.shift_left(w, sh) & jnp.int32(-65536)
                accs_l[k] = accs_l[k] + plsc.bitcast(fb, jnp.float32)
            return tuple(accs_l)

        return lax.fori_loop(0, _CHUNK, row_body, accs)

    issue(0, 0)

    def pair_body(c2, accs):
        c0 = 2 * c2
        issue(c0 + 1, 1)
        wait(c0, 0)
        accs = compute(0, accs)

        @pl.when(c2 < _NCHUNKS // 2 - 1)
        def _():
            issue(c0 + 2, 0)

        wait(c0 + 1, 1)
        return compute(1, accs)

    accs = lax.fori_loop(
        0, _NCHUNKS // 2, pair_body,
        tuple(jnp.zeros((16,), jnp.float32) for _ in range(_NVEC)))
    for k in range(_NVEC):
        accbuf[pl.ds(k * 16, 16)] = accs[k]
    pltpu.sync_copy(accbuf, out_hbm.at[pl.ds(wid * _NEG, _NEG)])


def _final_body(sp_ref, p0_ref, out_ref):
    sp = sp_ref[...]
    p0p = p0_ref[...]
    s = jnp.sum(sp, axis=1)
    p0 = jnp.sum(p0p, axis=1)[:, 0:1] / _HW
    pred = s / _HW / _TEMP
    negterm = jnp.maximum(jnp.log(1.0 - pred), -100.0)
    safe = jnp.where(p0 > 0.0, p0, 0.5)
    posterm = jnp.where(p0 > 0.0, jnp.maximum(jnp.log(safe), -100.0), -100.0)
    lossi = -(posterm + jnp.sum(negterm, axis=1, keepdims=True)) / (_NEG + 1.0)
    loss = jnp.sum(lossi) / _B
    o2 = jnp.sum(p0) / _B
    o3 = jnp.sum(pred) / _NEG * _TEMP / _B
    lane = lax.broadcasted_iota(jnp.int32, (1, 128), 1)
    out_ref[...] = jnp.where(
        lane == 0, loss, jnp.where(lane == 1, o2, jnp.where(lane == 2, o3, 0.0)))


_final = pl.pallas_call(
    _final_body,
    out_shape=jax.ShapeDtypeStruct((1, 128), jnp.float32),
)


def kernel(views_1, views_2, img):
    z1 = views_1.reshape(_B, _C, _HW)
    z2 = views_2.reshape(_B, _C, _HW)
    imgf = img.reshape(3, _HW)
    v, p0 = _prep(z1, z2, imgf, imgf, _CNT, _EUCW)
    sp = _make_sc_gather()(v.reshape(_B * _NPB * _HW, 128), _IDX)
    out = _final(sp.reshape(_B, _NTILES // _B, _NEG),
                 p0.reshape(_B, _NPB, 128))
    return (out[0, 0], out[0, 1], out[0, 2])

# --- scband reference (transcript-rebuilt; emitter-appended) ---
"""Pipeline reference for scband-contrastive-loss-72043781423435 (READ-ONLY COPY).

The authoritative reference and input builder live on the scoring server;
editing this copy changes nothing except your own understanding.
"""

import jax, jax.numpy as jnp
import numpy as np

TEMPERATURE = 2.0
FACTOR = 0.8
NEG = 256


def setup_inputs(seed: int = 0) -> dict:
    key = jax.random.key(seed)
    k1, k2, k3 = jax.random.split(key, 3)
    views_1 = jax.random.normal(k1, (8, 64, 32, 32), dtype=jnp.float32)
    views_2 = jax.random.normal(k2, (8, 64, 32, 32), dtype=jnp.float32)
    img = jax.random.uniform(k3, (1, 3, 32, 32), dtype=jnp.float32)
    return {"views_1": views_1, "views_2": views_2, "img": img}


def _bce(pred, target):
    # torch.nn.BCELoss semantics: per-element log terms clamped at -100, mean reduction.
    # where-guards avoid NaN grads when pred hits exactly 0 or 1 (forward value identical).
    safe_p = jnp.where(pred > 0.0, pred, 0.5)
    log_p = jnp.where(pred > 0.0, jnp.clip(jnp.log(safe_p), -100.0, None), -100.0)
    safe_q = jnp.where(pred < 1.0, pred, 0.5)
    log_1mp = jnp.where(pred < 1.0, jnp.clip(jnp.log1p(-safe_q), -100.0, None), -100.0)
    return -jnp.mean(target * log_p + (1.0 - target) * log_1mp)


def reference(views_1, views_2, img):
    B, c, h, w = views_1.shape
    hw = h * w
    height = (jnp.arange(hw) // w).astype(jnp.int32)
    width = (jnp.arange(hw) % w).astype(jnp.int32)
    coords = jnp.stack([height, width]).astype(jnp.float32)  # [2, hw]
    loss = 0.0
    sim_all = jnp.zeros(NEG + 1, dtype=jnp.float32)
    for i in range(B):
        kk = jax.random.fold_in(jax.random.key(42), i)
        ka, kb = jax.random.split(kk)
        neg_h = jax.random.randint(ka, (hw, NEG), 0, h)
        neg_w = jax.random.randint(kb, (hw, NEG), 0, w)
        z1 = views_1[i].reshape(c, hw)                      # [c, hw]
        patch_neg = views_2[i][:, neg_h, neg_w]             # [c, hw, NEG] gather
        # torch code assigns a SCALAR frobenius norm per pixel row (row-constant dists)
        diffs = coords[:, :, None] - jnp.stack([neg_h, neg_w]).astype(jnp.float32)  # [2, hw, NEG]
        euc = jnp.sqrt(jnp.sum(diffs ** 2, axis=(0, 2)))    # [hw]
        euc_dist = jnp.broadcast_to(euc[:, None], (hw, NEG))
        rgb_c = img[0][:, height, width]                    # [3, hw]
        rgb_n = img[0][:, neg_h, neg_w]                     # [3, hw, NEG]
        rgb = jnp.sqrt(jnp.sum((rgb_c[:, :, None] - rgb_n) ** 2, axis=(0, 2)))  # [hw]
        rgb_dist = jnp.broadcast_to(rgb[:, None], (hw, NEG))
        euc_dist = euc_dist / jnp.sqrt((h - 1.0) ** 2 + (w - 1.0) ** 2)
        rgb_dist = rgb_dist / jnp.sqrt(3.0)
        weight = euc_dist * FACTOR + rgb_dist * (1.0 - FACTOR)
        stack = jnp.concatenate([z1[:, :, None], patch_neg], axis=2)  # [c, hw, NEG+1]
        dot = jnp.sum(z1[:, :, None] * stack, axis=0)                 # [hw, NEG+1]
        n1 = jnp.linalg.norm(z1, axis=0)[:, None]
        n2 = jnp.linalg.norm(stack, axis=0)
        sim = dot / jnp.maximum(n1 * n2, 1e-8)  # torch CosineSimilarity(dim=0, eps=1e-8)
        sim = sim.at[:, 1:].multiply(weight)
        sim = jnp.abs(sim)
        sim = jnp.where(sim >= 1.0, 1.0, sim)
        sim = jnp.sum(sim, axis=0) / hw         # [NEG+1]
        sim = sim.at[1:].divide(TEMPERATURE)
        sim_all = sim_all + sim
        target = jnp.zeros_like(sim).at[0].set(1.0)
        loss = loss + _bce(sim, target)
    n = float(B)
    return (loss / n, sim_all[0] / n, sim_all[1:].sum() / NEG * TEMPERATURE / n)

if __name__ == "__main__":
    import jax
    _d = setup_inputs()
    print(jax.jit(kernel)(*tuple(_d.values())))

</pallas_src>

<mosaic_0001>
#map = affine_map<(d0, d1) -> (0, 0)>
#map1 = affine_map<(d0, d1) -> (0)>
module attributes {stable_mosaic.version = 14 : i64} {
  func.func @_sc_gather_body(%arg0: i32, %arg1: i32, %arg2: memref<32768x128xi32, #tpu.memory_space<hbm>>, %arg3: memref<2097152xi32, #tpu.memory_space<hbm>>, %arg4: memref<8192xf32, #tpu.memory_space<hbm>>, %arg5: memref<2x256x128xi32, #tpu.memory_space<vmem>>, %arg6: memref<32768xi32, #tpu.memory_space<vmem>>, %arg7: memref<256xf32, #tpu.memory_space<vmem>>, %arg8: memref<!tpu.dma_semaphore, #tpu.memory_space<semaphore_mem>>, %arg9: memref<!tpu.dma_semaphore, #tpu.memory_space<semaphore_mem>>, %arg10: memref<!tpu.dma_semaphore, #tpu.memory_space<semaphore_mem>>, %arg11: memref<!tpu.dma_semaphore, #tpu.memory_space<semaphore_mem>>) attributes {dimension_semantics = [#tpu.dimension_semantics<core_parallel>, #tpu.dimension_semantics<subcore_parallel>], iteration_bounds = array<i64: 2, 16>, scalar_prefetch = 0 : i64, scratch_operands = 7 : i64, tpu.core_type = #tpu.core_type<sc_vector_subcore>, window_params = [{transform_indices = #map}, {transform_indices = #map1}, {transform_indices = #map1}]} {
    %mul3A = arith.constant 2 : i32
    %mul3A_0 = arith.muli %arg1, %mul3A : i32
    %add3A = arith.addi %mul3A_0, %arg0 : i32
    %mul3A_1 = arith.constant 1024 : i32
    %mul3A_2 = arith.muli %add3A, %mul3A_1 : i32
    %add3A_3 = arith.constant 0 : i32
    %add3A_4 = arith.addi %mul3A_2, %add3A_3 : i32
    %mul3A_5 = arith.constant 256 : i32
    %mul3A_6 = arith.muli %add3A, %mul3A_5 : i32
    %add3A_7 = arith.constant 0 : i32
    %add3A_8 = arith.addi %mul3A_6, %add3A_7 : i32
    %mul3A_9 = arith.constant 256 : i32
    %mul3A_10 = arith.muli %add3A_8, %mul3A_9 : i32
    %dma_start3A = arith.constant 0 : i32
    %dma_start3A_11 = arith.constant 0 : i32
    %dma_start3A_12 = arith.constant 0 : i32
    %dma_start3A_13 = tpu.memref_slice %arg5[%dma_start3A, %dma_start3A_11, %dma_start3A_12] : memref<2x256x128xi32, #tpu.memory_space<vmem>> -> memref<1x256x128xi32, #tpu.memory_space<vmem>>
    %dma_start3A_14 = tpu.memref_squeeze %dma_start3A_13 : memref<1x256x128xi32, #tpu.memory_space<vmem>> -> memref<256x128xi32, #tpu.memory_space<vmem>>
    %dma_start3A_15 = arith.constant 0 : i32
    %dma_start3A_16 = tpu.memref_slice %arg2[%add3A_4, %dma_start3A_15] : memref<32768x128xi32, #tpu.memory_space<hbm>> -> memref<256x128xi32, #tpu.memory_space<hbm>>
    %dma_start3A_17 = arith.constant 0 : i32
    %dma_start3A_18 = arith.constant 0 : i32
    %dma_start3A_19 = tpu.memref_slice %arg5[%dma_start3A, %dma_start3A_17, %dma_start3A_18] : memref<2x256x128xi32, #tpu.memory_space<vmem>> -> memref<1x256x128xi32, #tpu.memory_space<vmem>>
    %dma_start3A_20 = tpu.memref_squeeze %dma_start3A_19 : memref<1x256x128xi32, #tpu.memory_space<vmem>> -> memref<256x128xi32, #tpu.memory_space<vmem>>
    %dma_start3A_21 = arith.constant 0 : i32
    %dma_start3A_22 = tpu.memref_slice %arg2[%add3A_4, %dma_start3A_21] : memref<32768x128xi32, #tpu.memory_space<hbm>> -> memref<256x128xi32, #tpu.memory_space<hbm>>
    tpu.enqueue_dma source(%dma_start3A_22 : memref<256x128xi32, #tpu.memory_space<hbm>>) target(%dma_start3A_20 : memref<256x128xi32, #tpu.memory_space<vmem>>) target_semaphore(%arg8 : memref<!tpu.dma_semaphore, #tpu.memory_space<semaphore_mem>>)
    %dma_start3A_23 = arith.constant 0 : i32
    %dma_start3A_24 = tpu.memref_slice %arg6[%dma_start3A_23] : memref<32768xi32, #tpu.memory_space<vmem>> -> memref<16384xi32, #tpu.memory_space<vmem>>
    %dma_start3A_25 = tpu.memref_slice %arg3[%mul3A_10] : memref<2097152xi32, #tpu.memory_space<hbm>> -> memref<16384xi32, #tpu.memory_space<hbm>>
    %dma_start3A_26 = arith.constant 0 : i32
    %dma_start3A_27 = tpu.memref_slice %arg6[%dma_start3A_26] : memref<32768xi32, #tpu.memory_space<vmem>> -> memref<16384xi32, #tpu.memory_space<vmem>>
    %dma_start3A_28 = tpu.memref_slice %arg3[%mul3A_10] : memref<2097152xi32, #tpu.memory_space<hbm>> -> memref<16384xi32, #tpu.memory_space<hbm>>
    tpu.enqueue_dma source(%dma_start3A_28 : memref<16384xi32, #tpu.memory_space<hbm>>) target(%dma_start3A_27 : memref<16384xi32, #tpu.memory_space<vmem>>) target_semaphore(%arg9 : memref<!tpu.dma_semaphore, #tpu.memory_space<semaphore_mem>>)
    %broadcast_in_dim3A = arith.constant 0.000000e+00 : f32
    %broadcast_in_dim3A_29 = vector.broadcast %broadcast_in_dim3A : f32 to vector<16xf32>
    %broadcast_in_dim3A_30 = arith.constant 0.000000e+00 : f32
    %broadcast_in_dim3A_31 = vector.broadcast %broadcast_in_dim3A_30 : f32 to vector<16xf32>
    %broadcast_in_dim3A_32 = arith.constant 0.000000e+00 : f32
    %broadcast_in_dim3A_33 = vector.broadcast %broadcast_in_dim3A_32 : f32 to vector<16xf32>
    %broadcast_in_dim3A_34 = arith.constant 0.000000e+00 : f32
    %broadcast_in_dim3A_35 = vector.broadcast %broadcast_in_dim3A_34 : f32 to vector<16xf32>
    %broadcast_in_dim3A_36 = arith.constant 0.000000e+00 : f32
    %broadcast_in_dim3A_37 = vector.broadcast %broadcast_in_dim3A_36 : f32 to vector<16xf32>
    %broadcast_in_dim3A_38 = arith.constant 0.000000e+00 : f32
    %broadcast_in_dim3A_39 = vector.broadcast %broadcast_in_dim3A_38 : f32 to vector<16xf32>
    %broadcast_in_dim3A_40 = arith.constant 0.000000e+00 : f32
    %broadcast_in_dim3A_41 = vector.broadcast %broadcast_in_dim3A_40 : f32 to vector<16xf32>
    %broadcast_in_dim3A_42 = arith.constant 0.000000e+00 : f32
    %broadcast_in_dim3A_43 = vector.broadcast %broadcast_in_dim3A_42 : f32 to vector<16xf32>
    %broadcast_in_dim3A_44 = arith.constant 0.000000e+00 : f32
    %broadcast_in_dim3A_45 = vector.broadcast %broadcast_in_dim3A_44 : f32 to vector<16xf32>
    %broadcast_in_dim3A_46 = arith.constant 0.000000e+00 : f32
    %broadcast_in_dim3A_47 = vector.broadcast %broadcast_in_dim3A_46 : f32 to vector<16xf32>
    %broadcast_in_dim3A_48 = arith.constant 0.000000e+00 : f32
    %broadcast_in_dim3A_49 = vector.broadcast %broadcast_in_dim3A_48 : f32 to vector<16xf32>
    %broadcast_in_dim3A_50 = arith.constant 0.000000e+00 : f32
    %broadcast_in_dim3A_51 = vector.broadcast %broadcast_in_dim3A_50 : f32 to vector<16xf32>
    %broadcast_in_dim3A_52 = arith.constant 0.000000e+00 : f32
    %broadcast_in_dim3A_53 = vector.broadcast %broadcast_in_dim3A_52 : f32 to vector<16xf32>
    %broadcast_in_dim3A_54 = arith.constant 0.000000e+00 : f32
    %broadcast_in_dim3A_55 = vector.broadcast %broadcast_in_dim3A_54 : f32 to vector<16xf32>
    %broadcast_in_dim3A_56 = arith.constant 0.000000e+00 : f32
    %broadcast_in_dim3A_57 = vector.broadcast %broadcast_in_dim3A_56 : f32 to vector<16xf32>
    %broadcast_in_dim3A_58 = arith.constant 0.000000e+00 : f32
    %broadcast_in_dim3A_59 = vector.broadcast %broadcast_in_dim3A_58 : f32 to vector<16xf32>
    %scan3A = arith.constant 0 : i32
    %scan3A_60 = arith.constant 2 : i32
    %scan3A_61 = arith.addi %scan3A, %scan3A_60 : i32
    %scan3A_62 = arith.constant 1 : i32
    %scan3A_63:16 = scf.for %scan3A_98 = %scan3A to %scan3A_61 step %scan3A_62 iter_args(%scan3A_99 = %broadcast_in_dim3A_29, %scan3A_100 = %broadcast_in_dim3A_31, %scan3A_101 = %broadcast_in_dim3A_33, %scan3A_102 = %broadcast_in_dim3A_35, %scan3A_103 = %broadcast_in_dim3A_37, %scan3A_104 = %broadcast_in_dim3A_39, %scan3A_105 = %broadcast_in_dim3A_41, %scan3A_106 = %broadcast_in_dim3A_43, %scan3A_107 = %broadcast_in_dim3A_45, %scan3A_108 = %broadcast_in_dim3A_47, %scan3A_109 = %broadcast_in_dim3A_49, %scan3A_110 = %broadcast_in_dim3A_51, %scan3A_111 = %broadcast_in_dim3A_53, %scan3A_112 = %broadcast_in_dim3A_55, %scan3A_113 = %broadcast_in_dim3A_57, %scan3A_114 = %broadcast_in_dim3A_59) -> (vector<16xf32>, vector<16xf32>, vector<16xf32>, vector<16xf32>, vector<16xf32>, vector<16xf32>, vector<16xf32>, vector<16xf32>, vector<16xf32>, vector<16xf32>, vector<16xf32>, vector<16xf32>, vector<16xf32>, vector<16xf32>, vector<16xf32>, vector<16xf32>)  : i32 {
      %mul3A_115 = arith.constant 2 : i32
      %mul3A_116 = arith.muli %mul3A_115, %scan3A_98 : i32
      %add3A_117 = arith.constant 1 : i32
      %add3A_118 = arith.addi %mul3A_116, %add3A_117 : i32
      %mul3A_119 = arith.constant 1024 : i32
      %mul3A_120 = arith.muli %add3A, %mul3A_119 : i32
      %mul3A_121 = arith.constant 256 : i32
      %mul3A_122 = arith.muli %add3A_118, %mul3A_121 : i32
      %add3A_123 = arith.addi %mul3A_120, %mul3A_122 : i32
      %mul3A_124 = arith.constant 256 : i32
      %mul3A_125 = arith.muli %add3A, %mul3A_124 : i32
      %mul3A_126 = arith.constant 64 : i32
      %mul3A_127 = arith.muli %add3A_118, %mul3A_126 : i32
      %add3A_128 = arith.addi %mul3A_125, %mul3A_127 : i32
      %mul3A_129 = arith.constant 256 : i32
      %mul3A_130 = arith.muli %add3A_128, %mul3A_129 : i32
      %dma_start3A_131 = arith.constant 1 : i32
      %dma_start3A_132 = arith.constant 0 : i32
      %dma_start3A_133 = arith.constant 0 : i32
      %dma_start3A_134 = tpu.memref_slice %arg5[%dma_start3A_131, %dma_start3A_132, %dma_start3A_133] : memref<2x256x128xi32, #tpu.memory_space<vmem>> -> memref<1x256x128xi32, #tpu.memory_space<vmem>>
      %dma_start3A_135 = tpu.memref_squeeze %dma_start3A_134 : memref<1x256x128xi32, #tpu.memory_space<vmem>> -> memref<256x128xi32, #tpu.memory_space<vmem>>
      %dma_start3A_136 = arith.constant 0 : i32
      %dma_start3A_137 = tpu.memref_slice %arg2[%add3A_123, %dma_start3A_136] : memref<32768x128xi32, #tpu.memory_space<hbm>> -> memref<256x128xi32, #tpu.memory_space<hbm>>
      %dma_start3A_138 = arith.constant 0 : i32
      %dma_start3A_139 = arith.constant 0 : i32
      %dma_start3A_140 = tpu.memref_slice %arg5[%dma_start3A_131, %dma_start3A_138, %dma_start3A_139] : memref<2x256x128xi32, #tpu.memory_space<vmem>> -> memref<1x256x128xi32, #tpu.memory_space<vmem>>
      %dma_start3A_141 = tpu.memref_squeeze %dma_start3A_140 : memref<1x256x128xi32, #tpu.memory_space<vmem>> -> memref<256x128xi32, #tpu.memory_space<vmem>>
      %dma_start3A_142 = arith.constant 0 : i32
      %dma_start3A_143 = tpu.memref_slice %arg2[%add3A_123, %dma_start3A_142] : memref<32768x128xi32, #tpu.memory_space<hbm>> -> memref<256x128xi32, #tpu.memory_space<hbm>>
      tpu.enqueue_dma source(%dma_start3A_143 : memref<256x128xi32, #tpu.memory_space<hbm>>) target(%dma_start3A_141 : memref<256x128xi32, #tpu.memory_space<vmem>>) target_semaphore(%arg10 : memref<!tpu.dma_semaphore, #tpu.memory_space<semaphore_mem>>)
      %dma_start3A_144 = arith.constant 16384 : i32
      %dma_start3A_145 = tpu.memref_slice %arg6[%dma_start3A_144] : memref<32768xi32, #tpu.memory_space<vmem>> -> memref<16384xi32, #tpu.memory_space<vmem>>
      %dma_start3A_146 = tpu.memref_slice %arg3[%mul3A_130] : memref<2097152xi32, #tpu.memory_space<hbm>> -> memref<16384xi32, #tpu.memory_space<hbm>>
      %dma_start3A_147 = arith.constant 16384 : i32
      %dma_start3A_148 = tpu.memref_slice %arg6[%dma_start3A_147] : memref<32768xi32, #tpu.memory_space<vmem>> -> memref<16384xi32, #tpu.memory_space<vmem>>
      %dma_start3A_149 = tpu.memref_slice %arg3[%mul3A_130] : memref<2097152xi32, #tpu.memory_space<hbm>> -> memref<16384xi32, #tpu.memory_space<hbm>>
      tpu.enqueue_dma source(%dma_start3A_149 : memref<16384xi32, #tpu.memory_space<hbm>>) target(%dma_start3A_148 : memref<16384xi32, #tpu.memory_space<vmem>>) target_semaphore(%arg11 : memref<!tpu.dma_semaphore, #tpu.memory_space<semaphore_mem>>)
      %mul3A_150 = arith.constant 1024 : i32
      %mul3A_151 = arith.muli %add3A, %mul3A_150 : i32
      %mul3A_152 = arith.constant 256 : i32
      %mul3A_153 = arith.muli %mul3A_116, %mul3A_152 : i32
      %add3A_154 = arith.addi %mul3A_151, %mul3A_153 : i32
      %mul3A_155 = arith.constant 256 : i32
      %mul3A_156 = arith.muli %add3A, %mul3A_155 : i32
      %mul3A_157 = arith.constant 64 : i32
      %mul3A_158 = arith.muli %mul3A_116, %mul3A_157 : i32
      %add3A_159 = arith.addi %mul3A_156, %mul3A_158 : i32
      %mul3A_160 = arith.constant 256 : i32
      %mul3A_161 = arith.muli %add3A_159, %mul3A_160 : i32
      %dma_wait3A = arith.constant 0 : i32
      %dma_wait3A_162 = arith.constant 0 : i32
      %dma_wait3A_163 = arith.constant 0 : i32
      %dma_wait3A_164 = tpu.memref_slice %arg5[%dma_wait3A, %dma_wait3A_162, %dma_wait3A_163] : memref<2x256x128xi32, #tpu.memory_space<vmem>> -> memref<1x256x128xi32, #tpu.memory_space<vmem>>
      %dma_wait3A_165 = tpu.memref_squeeze %dma_wait3A_164 : memref<1x256x128xi32, #tpu.memory_space<vmem>> -> memref<256x128xi32, #tpu.memory_space<vmem>>
      %dma_wait3A_166 = arith.constant 0 : i32
      %dma_wait3A_167 = tpu.memref_slice %arg2[%add3A_154, %dma_wait3A_166] : memref<32768x128xi32, #tpu.memory_space<hbm>> -> memref<256x128xi32, #tpu.memory_space<hbm>>
      %dma_wait3A_168 = arith.constant 0 : i32
      %dma_wait3A_169 = arith.constant 0 : i32
      %dma_wait3A_170 = tpu.memref_slice %arg5[%dma_wait3A, %dma_wait3A_168, %dma_wait3A_169] : memref<2x256x128xi32, #tpu.memory_space<vmem>> -> memref<1x256x128xi32, #tpu.memory_space<vmem>>
      %dma_wait3A_171 = tpu.memref_squeeze %dma_wait3A_170 : memref<1x256x128xi32, #tpu.memory_space<vmem>> -> memref<256x128xi32, #tpu.memory_space<vmem>>
      %dma_wait3A_172 = arith.constant 0 : i32
      %dma_wait3A_173 = tpu.memref_slice %arg2[%add3A_154, %dma_wait3A_172] : memref<32768x128xi32, #tpu.memory_space<hbm>> -> memref<256x128xi32, #tpu.memory_space<hbm>>
      tpu.wait_dma2 semaphore(%arg8 : memref<!tpu.dma_semaphore, #tpu.memory_space<semaphore_mem>>) src(%dma_wait3A_173 : memref<256x128xi32, #tpu.memory_space<hbm>>) dst(%dma_wait3A_171 : memref<256x128xi32, #tpu.memory_space<vmem>>)
      %dma_wait3A_174 = arith.constant 0 : i32
      %dma_wait3A_175 = tpu.memref_slice %arg6[%dma_wait3A_174] : memref<32768xi32, #tpu.memory_space<vmem>> -> memref<16384xi32, #tpu.memory_space<vmem>>
      %dma_wait3A_176 = tpu.memref_slice %arg3[%mul3A_161] : memref<2097152xi32, #tpu.memory_space<hbm>> -> memref<16384xi32, #tpu.memory_space<hbm>>
      %dma_wait3A_177 = arith.constant 0 : i32
      %dma_wait3A_178 = tpu.memref_slice %arg6[%dma_wait3A_177] : memref<32768xi32, #tpu.memory_space<vmem>> -> memref<16384xi32, #tpu.memory_space<vmem>>
      %dma_wait3A_179 = tpu.memref_slice %arg3[%mul3A_161] : memref<2097152xi32, #tpu.memory_space<hbm>> -> memref<16384xi32, #tpu.memory_space<hbm>>
      tpu.wait_dma2 semaphore(%arg9 : memref<!tpu.dma_semaphore, #tpu.memory_space<semaphore_mem>>) src(%dma_wait3A_179 : memref<16384xi32, #tpu.memory_space<hbm>>) dst(%dma_wait3A_178 : memref<16384xi32, #tpu.memory_space<vmem>>)
      %scan3A_180 = arith.constant 0 : i32
      %scan3A_181 = arith.constant 64 : i32
      %scan3A_182 = arith.addi %scan3A_180, %scan3A_181 : i32
      %scan3A_183 = arith.constant 1 : i32
      %scan3A_184:16 = scf.for %scan3A_227 = %scan3A_180 to %scan3A_182 step %scan3A_183 iter_args(%scan3A_228 = %scan3A_99, %scan3A_229 = %scan3A_100, %scan3A_230 = %scan3A_101, %scan3A_231 = %scan3A_102, %scan3A_232 = %scan3A_103, %scan3A_233 = %scan3A_104, %scan3A_234 = %scan3A_105, %scan3A_235 = %scan3A_106, %scan3A_236 = %scan3A_107, %scan3A_237 = %scan3A_108, %scan3A_238 = %scan3A_109, %scan3A_239 = %scan3A_110, %scan3A_240 = %scan3A_111, %scan3A_241 = %scan3A_112, %scan3A_242 = %scan3A_113, %scan3A_243 = %scan3A_114) -> (vector<16xf32>, vector<16xf32>, vector<16xf32>, vector<16xf32>, vector<16xf32>, vector<16xf32>, vector<16xf32>, vector<16xf32>, vector<16xf32>, vector<16xf32>, vector<16xf32>, vector<16xf32>, vector<16xf32>, vector<16xf32>, vector<16xf32>, vector<16xf32>)  : i32 {
        %mul3A_244 = arith.constant 256 : i32
        %mul3A_245 = arith.muli %scan3A_227, %mul3A_244 : i32
        %add3A_246 = arith.constant 0 : i32
        %add3A_247 = arith.addi %add3A_246, %mul3A_245 : i32
        %add3A_248 = arith.constant 0 : i32
        %add3A_249 = arith.addi %add3A_247, %add3A_248 : i32
        %get3A = arith.index_cast %add3A_249 : i32 to index
        %get3A_250 = tpu.vector_load %arg6[%get3A] {strides = array<i32>} : memref<32768xi32, #tpu.memory_space<vmem>>, vector<16xi32>,
        %shift_right_logical3A = arith.constant 7 : i32
        %shift_right_logical3A_251 = vector.broadcast %shift_right_logical3A : i32 to vector<16xi32>
        %shift_right_logical3A_252 = arith.shrui %get3A_250, %shift_right_logical3A_251 : vector<16xi32>
        %and3A = arith.constant 255 : i32
        %and3A_253 = vector.broadcast %and3A : i32 to vector<16xi32>
        %and3A_254 = arith.andi %shift_right_logical3A_252, %and3A_253 : vector<16xi32>
        %and3A_255 = arith.constant 127 : i32
        %and3A_256 = vector.broadcast %and3A_255 : i32 to vector<16xi32>
        %and3A_257 = arith.andi %get3A_250, %and3A_256 : vector<16xi32>
        %shift_right_logical3A_258 = arith.constant 27 : i32
        %shift_right_logical3A_259 = vector.broadcast %shift_right_logical3A_258 : i32 to vector<16xi32>
        %shift_right_logical3A_260 = arith.shrui %get3A_250, %shift_right_logical3A_259 : vector<16xi32>
        %gather3A = arith.constant 0 : i32
        %gather3A_261 = arith.constant 0 : i32
        %gather3A_262 = arith.constant 0 : i32
        %gather3A_263 = tpu.memref_slice %arg5[%gather3A, %gather3A_261, %gather3A_262] : memref<2x256x128xi32, #tpu.memory_space<vmem>> -> memref<1x256x128xi32, #tpu.memory_space<vmem>>
        %gather3A_264 = tpu.memref_squeeze %gather3A_263 : memref<1x256x128xi32, #tpu.memory_space<vmem>> -> memref<256x128xi32, #tpu.memory_space<vmem>>
        %gather3A_265 = tpu.vector_load_idx %gather3A_264[%and3A_254, %and3A_257] : memref<256x128xi32, #tpu.memory_space<vmem>>[vector<16xi32>, vector<16xi32>], vector<16xi32>,
        %shift_left3A = arith.shli %gather3A_265, %shift_right_logical3A_260 : vector<16xi32>
        %and3A_266 = arith.constant -65536 : i32
        %and3A_267 = vector.broadcast %and3A_266 : i32 to vector<16xi32>
        %and3A_268 = arith.andi %shift_left3A, %and3A_267 : vector<16xi32>
        %bitcast3A = vector.bitcast %and3A_268 : vector<16xi32> to vector<16xf32>
        %add3A_269 = arith.addf %scan3A_228, %bitcast3A : vector<16xf32>
        %mul3A_270 = arith.constant 256 : i32
        %mul3A_271 = arith.muli %scan3A_227, %mul3A_270 : i32
        %add3A_272 = arith.constant 0 : i32
        %add3A_273 = arith.addi %add3A_272, %mul3A_271 : i32
        %add3A_274 = arith.constant 16 : i32
        %add3A_275 = arith.addi %add3A_273, %add3A_274 : i32
        %get3A_276 = arith.index_cast %add3A_275 : i32 to index
        %get3A_277 = tpu.vector_load %arg6[%get3A_276] {strides = array<i32>} : memref<32768xi32, #tpu.memory_space<vmem>>, vector<16xi32>,
        %shift_right_logical3A_278 = arith.constant 7 : i32
        %shift_right_logical3A_279 = vector.broadcast %shift_right_logical3A_278 : i32 to vector<16xi32>
        %shift_right_logical3A_280 = arith.shrui %get3A_277, %shift_right_logical3A_279 : vector<16xi32>
        %and3A_281 = arith.constant 255 : i32
        %and3A_282 = vector.broadcast %and3A_281 : i32 to vector<16xi32>
        %and3A_283 = arith.andi %shift_right_logical3A_280, %and3A_282 : vector<16xi32>
        %and3A_284 = arith.constant 127 : i32
        %and3A_285 = vector.broadcast %and3A_284 : i32 to vector<16xi32>
        %and3A_286 = arith.andi %get3A_277, %and3A_285 : vector<16xi32>
        %shift_right_logical3A_287 = arith.constant 27 : i32
        %shift_right_logical3A_288 = vector.broadcast %shift_right_logical3A_287 : i32 to vector<16xi32>
        %shift_right_logical3A_289 = arith.shrui %get3A_277, %shift_right_logical3A_288 : vector<16xi32>
        %gather3A_290 = arith.constant 0 : i32
        %gather3A_291 = arith.constant 0 : i32
        %gather3A_292 = arith.constant 0 : i32
        %gather3A_293 = tpu.memref_slice %arg5[%gather3A_290, %gather3A_291, %gather3A_292] : memref<2x256x128xi32, #tpu.memory_space<vmem>> -> memref<1x256x128xi32, #tpu.memory_space<vmem>>
        %gather3A_294 = tpu.memref_squeeze %gather3A_293 : memref<1x256x128xi32, #tpu.memory_space<vmem>> -> memref<256x128xi32, #tpu.memory_space<vmem>>
        %gather3A_295 = tpu.vector_load_idx %gather3A_294[%and3A_283, %and3A_286] : memref<256x128xi32, #tpu.memory_space<vmem>>[vector<16xi32>, vector<16xi32>], vector<16xi32>,
        %shift_left3A_296 = arith.shli %gather3A_295, %shift_right_logical3A_289 : vector<16xi32>
        %and3A_297 = arith.constant -65536 : i32
        %and3A_298 = vector.broadcast %and3A_297 : i32 to vector<16xi32>
        %and3A_299 = arith.andi %shift_left3A_296, %and3A_298 : vector<16xi32>
        %bitcast3A_300 = vector.bitcast %and3A_299 : vector<16xi32> to vector<16xf32>
        %add3A_301 = arith.addf %scan3A_229, %bitcast3A_300 : vector<16xf32>
        %mul3A_302 = arith.constant 256 : i32
        %mul3A_303 = arith.muli %scan3A_227, %mul3A_302 : i32
        %add3A_304 = arith.constant 0 : i32
        %add3A_305 = arith.addi %add3A_304, %mul3A_303 : i32
        %add3A_306 = arith.constant 32 : i32
        %add3A_307 = arith.addi %add3A_305, %add3A_306 : i32
        %get3A_308 = arith.index_cast %add3A_307 : i32 to index
        %get3A_309 = tpu.vector_load %arg6[%get3A_308] {strides = array<i32>} : memref<32768xi32, #tpu.memory_space<vmem>>, vector<16xi32>,
        %shift_right_logical3A_310 = arith.constant 7 : i32
        %shift_right_logical3A_311 = vector.broadcast %shift_right_logical3A_310 : i32 to vector<16xi32>
        %shift_right_logical3A_312 = arith.shrui %get3A_309, %shift_right_logical3A_311 : vector<16xi32>
        %and3A_313 = arith.constant 255 : i32
        %and3A_314 = vector.broadcast %and3A_313 : i32 to vector<16xi32>
        %and3A_315 = arith.andi %shift_right_logical3A_312, %and3A_314 : vector<16xi32>
        %and3A_316 = arith.constant 127 : i32
        %and3A_317 = vector.broadcast %and3A_316 : i32 to vector<16xi32>
        %and3A_318 = arith.andi %get3A_309, %and3A_317 : vector<16xi32>
        %shift_right_logical3A_319 = arith.constant 27 : i32
        %shift_right_logical3A_320 = vector.broadcast %shift_right_logical3A_319 : i32 to vector<16xi32>
        %shift_right_logical3A_321 = arith.shrui %get3A_309, %shift_right_logical3A_320 : vector<16xi32>
        %gather3A_322 = arith.constant 0 : i32
        %gather3A_323 = arith.constant 0 : i32
        %gather3A_324 = arith.constant 0 : i32
        %gather3A_325 = tpu.memref_slice %arg5[%gather3A_322, %gather3A_323, %gather3A_324] : memref<2x256x128xi32, #tpu.memory_space<vmem>> -> memref<1x256x128xi32, #tpu.memory_space<vmem>>
        %gather3A_326 = tpu.memref_squeeze %gather3A_325 : memref<1x256x128xi32, #tpu.memory_space<vmem>> -> memref<256x128xi32, #tpu.memory_space<vmem>>
        %gather3A_327 = tpu.vector_load_idx %gather3A_326[%and3A_315, %and3A_318] : memref<256x128xi32, #tpu.memory_space<vmem>>[vector<16xi32>, vector<16xi32>], vector<16xi32>,
        %shift_left3A_328 = arith.shli %gather3A_327, %shift_right_logical3A_321 : vector<16xi32>
        %and3A_329 = arith.constant -65536 : i32
        %and3A_330 = vector.broadcast %and3A_329 : i32 to vector<16xi32>
        %and3A_331 = arith.andi %shift_left3A_328, %and3A_330 : vector<16xi32>
        %bitcast3A_332 = vector.bitcast %and3A_331 : vector<16xi32> to vector<16xf32>
        %add3A_333 = arith.addf %scan3A_230, %bitcast3A_332 : vector<16xf32>
        %mul3A_334 = arith.constant 256 : i32
        %mul3A_335 = arith.muli %scan3A_227, %mul3A_334 : i32
        %add3A_336 = arith.constant 0 : i32
        %add3A_337 = arith.addi %add3A_336, %mul3A_335 : i32
        %add3A_338 = arith.constant 48 : i32
        %add3A_339 = arith.addi %add3A_337, %add3A_338 : i32
        %get3A_340 = arith.index_cast %add3A_339 : i32 to index
        %get3A_341 = tpu.vector_load %arg6[%get3A_340] {strides = array<i32>} : memref<32768xi32, #tpu.memory_space<vmem>>, vector<16xi32>,
        %shift_right_logical3A_342 = arith.constant 7 : i32
        %shift_right_logical3A_343 = vector.broadcast %shift_right_logical3A_342 : i32 to vector<16xi32>
        %shift_right_logical3A_344 = arith.shrui %get3A_341, %shift_right_logical3A_343 : vector<16xi32>
        %and3A_345 = arith.constant 255 : i32
        %and3A_346 = vector.broadcast %and3A_345 : i32 to vector<16xi32>
        %and3A_347 = arith.andi %shift_right_logical3A_344, %and3A_346 : vector<16xi32>
        %and3A_348 = arith.constant 127 : i32
        %and3A_349 = vector.broadcast %and3A_348 : i32 to vector<16xi32>
        %and3A_350 = arith.andi %get3A_341, %and3A_349 : vector<16xi32>
        %shift_right_logical3A_351 = arith.constant 27 : i32
        %shift_right_logical3A_352 = vector.broadcast %shift_right_logical3A_351 : i32 to vector<16xi32>
        %shift_right_logical3A_353 = arith.shrui %get3A_341, %shift_right_logical3A_352 : vector<16xi32>
        %gather3A_354 = arith.constant 0 : i32
        %gather3A_355 = arith.constant 0 : i32
        %gather3A_356 = arith.constant 0 : i32
        %gather3A_357 = tpu.memref_slice %arg5[%gather3A_354, %gather3A_355, %gather3A_356] : memref<2x256x128xi32, #tpu.memory_space<vmem>> -> memref<1x256x128xi32, #tpu.memory_space<vmem>>
        %gather3A_358 = tpu.memref_squeeze %gather3A_357 : memref<1x256x128xi32, #tpu.memory_space<vmem>> -> memref<256x128xi32, #tpu.memory_space<vmem>>
        %gather3A_359 = tpu.vector_load_idx %gather3A_358[%and3A_347, %and3A_350] : memref<256x128xi32, #tpu.memory_space<vmem>>[vector<16xi32>, vector<16xi32>], vector<16xi32>,
        %shift_left3A_360 = arith.shli %gather3A_359, %shift_right_logical3A_353 : vector<16xi32>
        %and3A_361 = arith.constant -65536 : i32
        %and3A_362 = vector.broadcast %and3A_361 : i32 to vector<16xi32>
        %and3A_363 = arith.andi %shift_left3A_360, %and3A_362 : vector<16xi32>
        %bitcast3A_364 = vector.bitcast %and3A_363 : vector<16xi32> to vector<16xf32>
        %add3A_365 = arith.addf %scan3A_231, %bitcast3A_364 : vector<16xf32>
        %mul3A_366 = arith.constant 256 : i32
        %mul3A_367 = arith.muli %scan3A_227, %mul3A_366 : i32
        %add3A_368 = arith.constant 0 : i32
        %add3A_369 = arith.addi %add3A_368, %mul3A_367 : i32
        %add3A_370 = arith.constant 64 : i32
        %add3A_371 = arith.addi %add3A_369, %add3A_370 : i32
        %get3A_372 = arith.index_cast %add3A_371 : i32 to index
        %get3A_373 = tpu.vector_load %arg6[%get3A_372] {strides = array<i32>} : memref<32768xi32, #tpu.memory_space<vmem>>, vector<16xi32>,
        %shift_right_logical3A_374 = arith.constant 7 : i32
        %shift_right_logical3A_375 = vector.broadcast %shift_right_logical3A_374 : i32 to vector<16xi32>
        %shift_right_logical3A_376 = arith.shrui %get3A_373, %shift_right_logical3A_375 : vector<16xi32>
        %and3A_377 = arith.constant 255 : i32
        %and3A_378 = vector.broadcast %and3A_377 : i32 to vector<16xi32>
        %and3A_379 = arith.andi %shift_right_logical3A_376, %and3A_378 : vector<16xi32>
        %and3A_380 = arith.constant 127 : i32
        %and3A_381 = vector.broadcast %and3A_380 : i32 to vector<16xi32>
        %and3A_382 = arith.andi %get3A_373, %and3A_381 : vector<16xi32>
        %shift_right_logical3A_383 = arith.constant 27 : i32
        %shift_right_logical3A_384 = vector.broadcast %shift_right_logical3A_383 : i32 to vector<16xi32>
        %shift_right_logical3A_385 = arith.shrui %get3A_373, %shift_right_logical3A_384 : vector<16xi32>
        %gather3A_386 = arith.constant 0 : i32
        %gather3A_387 = arith.constant 0 : i32
        %gather3A_388 = arith.constant 0 : i32
        %gather3A_389 = tpu.memref_slice %arg5[%gather3A_386, %gather3A_387, %gather3A_388] : memref<2x256x128xi32, #tpu.memory_space<vmem>> -> memref<1x256x128xi32, #tpu.memory_space<vmem>>
        %gather3A_390 = tpu.memref_squeeze %gather3A_389 : memref<1x256x128xi32, #tpu.memory_space<vmem>> -> memref<256x128xi32, #tpu.memory_space<vmem>>
        %gather3A_391 = tpu.vector_load_idx %gather3A_390[%and3A_379, %and3A_382] : memref<256x128xi32, #tpu.memory_space<vmem>>[vector<16xi32>, vector<16xi32>], vector<16xi32>,
        %shift_left3A_392 = arith.shli %gather3A_391, %shift_right_logical3A_385 : vector<16xi32>
        %and3A_393 = arith.constant -65536 : i32
        %and3A_394 = vector.broadcast %and3A_393 : i32 to vector<16xi32>
        %and3A_395 = arith.andi %shift_left3A_392, %and3A_394 : vector<16xi32>
        %bitcast3A_396 = vector.bitcast %and3A_395 : vector<16xi32> to vector<16xf32>
        %add3A_397 = arith.addf %scan3A_232, %bitcast3A_396 : vector<16xf32>
        %mul3A_398 = arith.constant 256 : i32
        %mul3A_399 = arith.muli %scan3A_227, %mul3A_398 : i32
        %add3A_400 = arith.constant 0 : i32
        %add3A_401 = arith.addi %add3A_400, %mul3A_399 : i32
        %add3A_402 = arith.constant 80 : i32
        %add3A_403 = arith.addi %add3A_401, %add3A_402 : i32
        %get3A_404 = arith.index_cast %add3A_403 : i32 to index
        %get3A_405 = tpu.vector_load %arg6[%get3A_404] {strides = array<i32>} : memref<32768xi32, #tpu.memory_space<vmem>>, vector<16xi32>,
        %shift_right_logical3A_406 = arith.constant 7 : i32
        %shift_right_logical3A_407 = vector.broadcast %shift_right_logical3A_406 : i32 to vector<16xi32>
        %shift_right_logical3A_408 = arith.shrui %get3A_405, %shift_right_logical3A_407 : vector<16xi32>
        %and3A_409 = arith.constant 255 : i32
        %and3A_410 = vector.broadcast %and3A_409 : i32 to vector<16xi32>
        %and3A_411 = arith.andi %shift_right_logical3A_408, %and3A_410 : vector<16xi32>
        %and3A_412 = arith.constant 127 : i32
        %and3A_413 = vector.broadcast %and3A_412 : i32 to vector<16xi32>
        %and3A_414 = arith.andi %get3A_405, %and3A_413 : vector<16xi32>
        %shift_right_logical3A_415 = arith.constant 27 : i32
        %shift_right_logical3A_416 = vector.broadcast %shift_right_logical3A_415 : i32 to vector<16xi32>
        %shift_right_logical3A_417 = arith.shrui %get3A_405, %shift_right_logical3A_416 : vector<16xi32>
        %gather3A_418 = arith.constant 0 : i32
        %gather3A_419 = arith.constant 0 : i32
        %gather3A_420 = arith.constant 0 : i32
        %gather3A_421 = tpu.memref_slice %arg5[%gather3A_418, %gather3A_419, %gather3A_420] : memref<2x256x128xi32, #tpu.memory_space<vmem>> -> memref<1x256x128xi32, #tpu.memory_space<vmem>>
        %gather3A_422 = tpu.memref_squeeze %gather3A_421 : memref<1x256x128xi32, #tpu.memory_space<vmem>> -> memref<256x128xi32, #tpu.memory_space<vmem>>
        %gather3A_423 = tpu.vector_load_idx %gather3A_422[%and3A_411, %and3A_414] : memref<256x128xi32, #tpu.memory_space<vmem>>[vector<16xi32>, vector<16xi32>], vector<16xi32>,
        %shift_left3A_424 = arith.shli %gather3A_423, %shift_right_logical3A_417 : vector<16xi32>
        %and3A_425 = arith.constant -65536 : i32
        %and3A_426 = vector.broadcast %and3A_425 : i32 to vector<16xi32>
        %and3A_427 = arith.andi %shift_left3A_424, %and3A_426 : vector<16xi32>
        %bitcast3A_428 = vector.bitcast %and3A_427 : vector<16xi32> to vector<16xf32>
        %add3A_429 = arith.addf %scan3A_233, %bitcast3A_428 : vector<16xf32>
        %mul3A_430 = arith.constant 256 : i32
        %mul3A_431 = arith.muli %scan3A_227, %mul3A_430 : i32
        %add3A_432 = arith.constant 0 : i32
        %add3A_433 = arith.addi %add3A_432, %mul3A_431 : i32
        %add3A_434 = arith.constant 96 : i32
        %add3A_435 = arith.addi %add3A_433, %add3A_434 : i32
        %get3A_436 = arith.index_cast %add3A_435 : i32 to index
        %get3A_437 = tpu.vector_load %arg6[%get3A_436] {strides = array<i32>} : memref<32768xi32, #tpu.memory_space<vmem>>, vector<16xi32>,
        %shift_right_logical3A_438 = arith.constant 7 : i32
        %shift_right_logical3A_439 = vector.broadcast %shift_right_logical3A_438 : i32 to vector<16xi32>
        %shift_right_logical3A_440 = arith.shrui %get3A_437, %shift_right_logical3A_439 : vector<16xi32>
        %and3A_441 = arith.constant 255 : i32
        %and3A_442 = vector.broadcast %and3A_441 : i32 to vector<16xi32>
        %and3A_443 = arith.andi %shift_right_logical3A_440, %and3A_442 : vector<16xi32>
        %and3A_444 = arith.constant 127 : i32
        %and3A_445 = vector.broadcast %and3A_444 : i32 to vector<16xi32>
        %and3A_446 = arith.andi %get3A_437, %and3A_445 : vector<16xi32>
        %shift_right_logical3A_447 = arith.constant 27 : i32
        %shift_right_logical3A_448 = vector.broadcast %shift_right_logical3A_447 : i32 to vector<16xi32>
        %shift_right_logical3A_449 = arith.shrui %get3A_437, %shift_right_logical3A_448 : vector<16xi32>
        %gather3A_450 = arith.constant 0 : i32
        %gather3A_451 = arith.constant 0 : i32
        %gather3A_452 = arith.constant 0 : i32
        %gather3A_453 = tpu.memref_slice %arg5[%gather3A_450, %gather3A_451, %gather3A_452] : memref<2x256x128xi32, #tpu.memory_space<vmem>> -> memref<1x256x128xi32, #tpu.memory_space<vmem>>
        %gather3A_454 = tpu.memref_squeeze %gather3A_453 : memref<1x256x128xi32, #tpu.memory_space<vmem>> -> memref<256x128xi32, #tpu.memory_space<vmem>>
        %gather3A_455 = tpu.vector_load_idx %gather3A_454[%and3A_443, %and3A_446] : memref<256x128xi32, #tpu.memory_space<vmem>>[vector<16xi32>, vector<16xi32>], vector<16xi32>,
        %shift_left3A_456 = arith.shli %gather3A_455, %shift_right_logical3A_449 : vector<16xi32>
        %and3A_457 = arith.constant -65536 : i32
        %and3A_458 = vector.broadcast %and3A_457 : i32 to vector<16xi32>
        %and3A_459 = arith.andi %shift_left3A_456, %and3A_458 : vector<16xi32>
        %bitcast3A_460 = vector.bitcast %and3A_459 : vector<16xi32> to vector<16xf32>
        %add3A_461 = arith.addf %scan3A_234, %bitcast3A_460 : vector<16xf32>
        %mul3A_462 = arith.constant 256 : i32
        %mul3A_463 = arith.muli %scan3A_227, %mul3A_462 : i32
        %add3A_464 = arith.constant 0 : i32
        %add3A_465 = arith.addi %add3A_464, %mul3A_463 : i32
        %add3A_466 = arith.constant 112 : i32
        %add3A_467 = arith.addi %add3A_465, %add3A_466 : i32
        %get3A_468 = arith.index_cast %add3A_467 : i32 to index
        %get3A_469 = tpu.vector_load %arg6[%get3A_468] {strides = array<i32>} : memref<32768xi32, #tpu.memory_space<vmem>>, vector<16xi32>,
        %shift_right_logical3A_470 = arith.constant 7 : i32
        %shift_right_logical3A_471 = vector.broadcast %shift_right_logical3A_470 : i32 to vector<16xi32>
        %shift_right_logical3A_472 = arith.shrui %get3A_469, %shift_right_logical3A_471 : vector<16xi32>
        %and3A_473 = arith.constant 255 : i32
        %and3A_474 = vector.broadcast %and3A_473 : i32 to vector<16xi32>
        %and3A_475 = arith.andi %shift_right_logical3A_472, %and3A_474 : vector<16xi32>
        %and3A_476 = arith.constant 127 : i32
        %and3A_477 = vector.broadcast %and3A_476 : i32 to vector<16xi32>
        %and3A_478 = arith.andi %get3A_469, %and3A_477 : vector<16xi32>
        %shift_right_logical3A_479 = arith.constant 27 : i32
        %shift_right_logical3A_480 = vector.broadcast %shift_right_logical3A_479 : i32 to vector<16xi32>
        %shift_right_logical3A_481 = arith.shrui %get3A_469, %shift_right_logical3A_480 : vector<16xi32>
        %gather3A_482 = arith.constant 0 : i32
        %gather3A_483 = arith.constant 0 : i32
        %gather3A_484 = arith.constant 0 : i32
        %gather3A_485 = tpu.memref_slice %arg5[%gather3A_482, %gather3A_483, %gather3A_484] : memref<2x256x128xi32, #tpu.memory_space<vmem>> -> memref<1x256x128xi32, #tpu.memory_space<vmem>>
        %gather3A_486 = tpu.memref_squeeze %gather3A_485 : memref<1x256x128xi32, #tpu.memory_space<vmem>> -> memref<256x128xi32, #tpu.memory_space<vmem>>
        %gather3A_487 = tpu.vector_load_idx %gather3A_486[%and3A_475, %and3A_478] : memref<256x128xi32, #tpu.memory_space<vmem>>[vector<16xi32>, vector<16xi32>], vector<16xi32>,
        %shift_left3A_488 = arith.shli %gather3A_487, %shift_right_logical3A_481 : vector<16xi32>
        %and3A_489 = arith.constant -65536 : i32
        %and3A_490 = vector.broadcast %and3A_489 : i32 to vector<16xi32>
        %and3A_491 = arith.andi %shift_left3A_488, %and3A_490 : vector<16xi32>
        %bitcast3A_492 = vector.bitcast %and3A_491 : vector<16xi32> to vector<16xf32>
        %add3A_493 = arith.addf %scan3A_235, %bitcast3A_492 : vector<16xf32>
        %mul3A_494 = arith.constant 256 : i32
        %mul3A_495 = arith.muli %scan3A_227, %mul3A_494 : i32
        %add3A_496 = arith.constant 0 : i32
        %add3A_497 = arith.addi %add3A_496, %mul3A_495 : i32
        %add3A_498 = arith.constant 128 : i32
        %add3A_499 = arith.addi %add3A_497, %add3A_498 : i32
        %get3A_500 = arith.index_cast %add3A_499 : i32 to index
        %get3A_501 = tpu.vector_load %arg6[%get3A_500] {strides = array<i32>} : memref<32768xi32, #tpu.memory_space<vmem>>, vector<16xi32>,
        %shift_right_logical3A_502 = arith.constant 7 : i32
        %shift_right_logical3A_503 = vector.broadcast %shift_right_logical3A_502 : i32 to vector<16xi32>
        %shift_right_logical3A_504 = arith.shrui %get3A_501, %shift_right_logical3A_503 : vector<16xi32>
        %and3A_505 = arith.constant 255 : i32
        %and3A_506 = vector.broadcast %and3A_505 : i32 to vector<16xi32>
        %and3A_507 = arith.andi %shift_right_logical3A_504, %and3A_506 : vector<16xi32>
        %and3A_508 = arith.constant 127 : i32
        %and3A_509 = vector.broadcast %and3A_508 : i32 to vector<16xi32>
        %and3A_510 = arith.andi %get3A_501, %and3A_509 : vector<16xi32>
        %shift_right_logical3A_511 = arith.constant 27 : i32
        %shift_right_logical3A_512 = vector.broadcast %shift_right_logical3A_511 : i32 to vector<16xi32>
        %shift_right_logical3A_513 = arith.shrui %get3A_501, %shift_right_logical3A_512 : vector<16xi32>
        %gather3A_514 = arith.constant 0 : i32
        %gather3A_515 = arith.constant 0 : i32
        %gather3A_516 = arith.constant 0 : i32
        %gather3A_517 = tpu.memref_slice %arg5[%gather3A_514, %gather3A_515, %gather3A_516] : memref<2x256x128xi32, #tpu.memory_space<vmem>> -> memref<1x256x128xi32, #tpu.memory_space<vmem>>
        %gather3A_518 = tpu.memref_squeeze %gather3A_517 : memref<1x256x128xi32, #tpu.memory_space<vmem>> -> memref<256x128xi32, #tpu.memory_space<vmem>>
        %gather3A_519 = tpu.vector_load_idx %gather3A_518[%and3A_507, %and3A_510] : memref<256x128xi32, #tpu.memory_space<vmem>>[vector<16xi32>, vector<16xi32>], vector<16xi32>,
        %shift_left3A_520 = arith.shli %gather3A_519, %shift_right_logical3A_513 : vector<16xi32>
        %and3A_521 = arith.constant -65536 : i32
        %and3A_522 = vector.broadcast %and3A_521 : i32 to vector<16xi32>
        %and3A_523 = arith.andi %shift_left3A_520, %and3A_522 : vector<16xi32>
        %bitcast3A_524 = vector.bitcast %and3A_523 : vector<16xi32> to vector<16xf32>
        %add3A_525 = arith.addf %scan3A_236, %bitcast3A_524 : vector<16xf32>
        %mul3A_526 = arith.constant 256 : i32
        %mul3A_527 = arith.muli %scan3A_227, %mul3A_526 : i32
        %add3A_528 = arith.constant 0 : i32
        %add3A_529 = arith.addi %add3A_528, %mul3A_527 : i32
        %add3A_530 = arith.constant 144 : i32
        %add3A_531 = arith.addi %add3A_529, %add3A_530 : i32
        %get3A_532 = arith.index_cast %add3A_531 : i32 to index
        %get3A_533 = tpu.vector_load %arg6[%get3A_532] {strides = array<i32>} : memref<32768xi32, #tpu.memory_space<vmem>>, vector<16xi32>,
        %shift_right_logical3A_534 = arith.constant 7 : i32
        %shift_right_logical3A_535 = vector.broadcast %shift_right_logical3A_534 : i32 to vector<16xi32>
        %shift_right_logical3A_536 = arith.shrui %get3A_533, %shift_right_logical3A_535 : vector<16xi32>
        %and3A_537 = arith.constant 255 : i32
        %and3A_538 = vector.broadcast %and3A_537 : i32 to vector<16xi32>
        %and3A_539 = arith.andi %shift_right_logical3A_536, %and3A_538 : vector<16xi32>
        %and3A_540 = arith.constant 127 : i32
        %and3A_541 = vector.broadcast %and3A_540 : i32 to vector<16xi32>
        %and3A_542 = arith.andi %get3A_533, %and3A_541 : vector<16xi32>
        %shift_right_logical3A_543 = arith.constant 27 : i32
        %shift_right_logical3A_544 = vector.broadcast %shift_right_logical3A_543 : i32 to vector<16xi32>
        %shift_right_logical3A_545 = arith.shrui %get3A_533, %shift_right_logical3A_544 : vector<16xi32>
        %gather3A_546 = arith.constant 0 : i32
        %gather3A_547 = arith.constant 0 : i32
        %gather3A_548 = arith.constant 0 : i32
        %gather3A_549 = tpu.memref_slice %arg5[%gather3A_546, %gather3A_547, %gather3A_548] : memref<2x256x128xi32, #tpu.memory_space<vmem>> -> memref<1x256x128xi32, #tpu.memory_space<vmem>>
        %gather3A_550 = tpu.memref_squeeze %gather3A_549 : memref<1x256x128xi32, #tpu.memory_space<vmem>> -> memref<256x128xi32, #tpu.memory_space<vmem>>
        %gather3A_551 = tpu.vector_load_idx %gather3A_550[%and3A_539, %and3A_542] : memref<256x128xi32, #tpu.memory_space<vmem>>[vector<16xi32>, vector<16xi32>], vector<16xi32>,
        %shift_left3A_552 = arith.shli %gather3A_551, %shift_right_logical3A_545 : vector<16xi32>
        %and3A_553 = arith.constant -65536 : i32
        %and3A_554 = vector.broadcast %and3A_553 : i32 to vector<16xi32>
        %and3A_555 = arith.andi %shift_left3A_552, %and3A_554 : vector<16xi32>
        %bitcast3A_556 = vector.bitcast %and3A_555 : vector<16xi32> to vector<16xf32>
        %add3A_557 = arith.addf %scan3A_237, %bitcast3A_556 : vector<16xf32>
        %mul3A_558 = arith.constant 256 : i32
        %mul3A_559 = arith.muli %scan3A_227, %mul3A_558 : i32
        %add3A_560 = arith.constant 0 : i32
        %add3A_561 = arith.addi %add3A_560, %mul3A_559 : i32
        %add3A_562 = arith.constant 160 : i32
        %add3A_563 = arith.addi %add3A_561, %add3A_562 : i32
        %get3A_564 = arith.index_cast %add3A_563 : i32 to index
        %get3A_565 = tpu.vector_load %arg6[%get3A_564] {strides = array<i32>} : memref<32768xi32, #tpu.memory_space<vmem>>, vector<16xi32>,
        %shift_right_logical3A_566 = arith.constant 7 : i32
        %shift_right_logical3A_567 = vector.broadcast %shift_right_logical3A_566 : i32 to vector<16xi32>
        %shift_right_logical3A_568 = arith.shrui %get3A_565, %shift_right_logical3A_567 : vector<16xi32>
        %and3A_569 = arith.constant 255 : i32
        %and3A_570 = vector.broadcast %and3A_569 : i32 to vector<16xi32>
        %and3A_571 = arith.andi %shift_right_logical3A_568, %and3A_570 : vector<16xi32>
        %and3A_572 = arith.constant 127 : i32
        %and3A_573 = vector.broadcast %and3A_572 : i32 to vector<16xi32>
        %and3A_574 = arith.andi %get3A_565, %and3A_573 : vector<16xi32>
        %shift_right_logical3A_575 = arith.constant 27 : i32
        %shift_right_logical3A_576 = vector.broadcast %shift_right_logical3A_575 : i32 to vector<16xi32>
        %shift_right_logical3A_577 = arith.shrui %get3A_565, %shift_right_logical3A_576 : vector<16xi32>
        %gather3A_578 = arith.constant 0 : i32
        %gather3A_579 = arith.constant 0 : i32
        %gather3A_580 = arith.constant 0 : i32
        %gather3A_581 = tpu.memref_slice %arg5[%gather3A_578, %gather3A_579, %gather3A_580] : memref<2x256x128xi32, #tpu.memory_space<vmem>> -> memref<1x256x128xi32, #tpu.memory_space<vmem>>
        %gather3A_582 = tpu.memref_squeeze %gather3A_581 : memref<1x256x128xi32, #tpu.memory_space<vmem>> -> memref<256x128xi32, #tpu.memory_space<vmem>>
        %gather3A_583 = tpu.vector_load_idx %gather3A_582[%and3A_571, %and3A_574] : memref<256x128xi32, #tpu.memory_space<vmem>>[vector<16xi32>, vector<16xi32>], vector<16xi32>,
        %shift_left3A_584 = arith.shli %gather3A_583, %shift_right_logical3A_577 : vector<16xi32>
        %and3A_585 = arith.constant -65536 : i32
        %and3A_586 = vector.broadcast %and3A_585 : i32 to vector<16xi32>
        %and3A_587 = arith.andi %shift_left3A_584, %and3A_586 : vector<16xi32>
        %bitcast3A_588 = vector.bitcast %and3A_587 : vector<16xi32> to vector<16xf32>
        %add3A_589 = arith.addf %scan3A_238, %bitcast3A_588 : vector<16xf32>
        %mul3A_590 = arith.constant 256 : i32
        %mul3A_591 = arith.muli %scan3A_227, %mul3A_590 : i32
        %add3A_592 = arith.constant 0 : i32
        %add3A_593 = arith.addi %add3A_592, %mul3A_591 : i32
        %add3A_594 = arith.constant 176 : i32
        %add3A_595 = arith.addi %add3A_593, %add3A_594 : i32
        %get3A_596 = arith.index_cast %add3A_595 : i32 to index
        %get3A_597 = tpu.vector_load %arg6[%get3A_596] {strides = array<i32>} : memref<32768xi32, #tpu.memory_space<vmem>>, vector<16xi32>,
        %shift_right_logical3A_598 = arith.constant 7 : i32
        %shift_right_logical3A_599 = vector.broadcast %shift_right_logical3A_598 : i32 to vector<16xi32>
        %shift_right_logical3A_600 = arith.shrui %get3A_597, %shift_right_logical3A_599 : vector<16xi32>
        %and3A_601 = arith.constant 255 : i32
        %and3A_602 = vector.broadcast %and3A_601 : i32 to vector<16xi32>
        %and3A_603 = arith.andi %shift_right_logical3A_600, %and3A_602 : vector<16xi32>
        %and3A_604 = arith.constant 127 : i32
        %and3A_605 = vector.broadcast %and3A_604 : i32 to vector<16xi32>
        %and3A_606 = arith.andi %get3A_597, %and3A_605 : vector<16xi32>
        %shift_right_logical3A_607 = arith.constant 27 : i32
        %shift_right_logical3A_608 = vector.broadcast %shift_right_logical3A_607 : i32 to vector<16xi32>
        %shift_right_logical3A_609 = arith.shrui %get3A_597, %shift_right_logical3A_608 : vector<16xi32>
        %gather3A_610 = arith.constant 0 : i32
        %gather3A_611 = arith.constant 0 : i32
        %gather3A_612 = arith.constant 0 : i32
        %gather3A_613 = tpu.memref_slice %arg5[%gather3A_610, %gather3A_611, %gather3A_612] : memref<2x256x128xi32, #tpu.memory_space<vmem>> -> memref<1x256x128xi32, #tpu.memory_space<vmem>>
        %gather3A_614 = tpu.memref_squeeze %gather3A_613 : memref<1x256x128xi32, #tpu.memory_space<vmem>> -> memref<256x128xi32, #tpu.memory_space<vmem>>
        %gather3A_615 = tpu.vector_load_idx %gather3A_614[%and3A_603, %and3A_606] : memref<256x128xi32, #tpu.memory_space<vmem>>[vector<16xi32>, vector<16xi32>], vector<16xi32>,
        %shift_left3A_616 = arith.shli %gather3A_615, %shift_right_logical3A_609 : vector<16xi32>
        %and3A_617 = arith.constant -65536 : i32
        %and3A_618 = vector.broadcast %and3A_617 : i32 to vector<16xi32>
        %and3A_619 = arith.andi %shift_left3A_616, %and3A_618 : vector<16xi32>
        %bitcast3A_620 = vector.bitcast %and3A_619 : vector<16xi32> to vector<16xf32>
        %add3A_621 = arith.addf %scan3A_239, %bitcast3A_620 : vector<16xf32>
        %mul3A_622 = arith.constant 256 : i32
        %mul3A_623 = arith.muli %scan3A_227, %mul3A_622 : i32
        %add3A_624 = arith.constant 0 : i32
        %add3A_625 = arith.addi %add3A_624, %mul3A_623 : i32
        %add3A_626 = arith.constant 192 : i32
        %add3A_627 = arith.addi %add3A_625, %add3A_626 : i32
        %get3A_628 = arith.index_cast %add3A_627 : i32 to index
        %get3A_629 = tpu.vector_load %arg6[%get3A_628] {strides = array<i32>} : memref<32768xi32, #tpu.memory_space<vmem>>, vector<16xi32>,
        %shift_right_logical3A_630 = arith.constant 7 : i32
        %shift_right_logical3A_631 = vector.broadcast %shift_right_logical3A_630 : i32 to vector<16xi32>
        %shift_right_logical3A_632 = arith.shrui %get3A_629, %shift_right_logical3A_631 : vector<16xi32>
        %and3A_633 = arith.constant 255 : i32
        %and3A_634 = vector.broadcast %and3A_633 : i32 to vector<16xi32>
        %and3A_635 = arith.andi %shift_right_logical3A_632, %and3A_634 : vector<16xi32>
        %and3A_636 = arith.constant 127 : i32
        %and3A_637 = vector.broadcast %and3A_636 : i32 to vector<16xi32>
        %and3A_638 = arith.andi %get3A_629, %and3A_637 : vector<16xi32>
        %shift_right_logical3A_639 = arith.constant 27 : i32
        %shift_right_logical3A_640 = vector.broadcast %shift_right_logical3A_639 : i32 to vector<16xi32>
        %shift_right_logical3A_641 = arith.shrui %get3A_629, %shift_right_logical3A_640 : vector<16xi32>
        %gather3A_642 = arith.constant 0 : i32
        %gather3A_643 = arith.constant 0 : i32
        %gather3A_644 = arith.constant 0 : i32
        %gather3A_645 = tpu.memref_slice %arg5[%gather3A_642, %gather3A_643, %gather3A_644] : memref<2x256x128xi32, #tpu.memory_space<vmem>> -> memref<1x256x128xi32, #tpu.memory_space<vmem>>
        %gather3A_646 = tpu.memref_squeeze %gather3A_645 : memref<1x256x128xi32, #tpu.memory_space<vmem>> -> memref<256x128xi32, #tpu.memory_space<vmem>>
        %gather3A_647 = tpu.vector_load_idx %gather3A_646[%and3A_635, %and3A_638] : memref<256x128xi32, #tpu.memory_space<vmem>>[vector<16xi32>, vector<16xi32>], vector<16xi32>,
        %shift_left3A_648 = arith.shli %gather3A_647, %shift_right_logical3A_641 : vector<16xi32>
        %and3A_649 = arith.constant -65536 : i32
        %and3A_650 = vector.broadcast %and3A_649 : i32 to vector<16xi32>
        %and3A_651 = arith.andi %shift_left3A_648, %and3A_650 : vector<16xi32>
        %bitcast3A_652 = vector.bitcast %and3A_651 : vector<16xi32> to vector<16xf32>
        %add3A_653 = arith.addf %scan3A_240, %bitcast3A_652 : vector<16xf32>
        %mul3A_654 = arith.constant 256 : i32
        %mul3A_655 = arith.muli %scan3A_227, %mul3A_654 : i32
        %add3A_656 = arith.constant 0 : i32
        %add3A_657 = arith.addi %add3A_656, %mul3A_655 : i32
        %add3A_658 = arith.constant 208 : i32
        %add3A_659 = arith.addi %add3A_657, %add3A_658 : i32
        %get3A_660 = arith.index_cast %add3A_659 : i32 to index
        %get3A_661 = tpu.vector_load %arg6[%get3A_660] {strides = array<i32>} : memref<32768xi32, #tpu.memory_space<vmem>>, vector<16xi32>,
        %shift_right_logical3A_662 = arith.constant 7 : i32
        %shift_right_logical3A_663 = vector.broadcast %shift_right_logical3A_662 : i32 to vector<16xi32>
        %shift_right_logical3A_664 = arith.shrui %get3A_661, %shift_right_logical3A_663 : vector<16xi32>
        %and3A_665 = arith.constant 255 : i32
        %and3A_666 = vector.broadcast %and3A_665 : i32 to vector<16xi32>
        %and3A_667 = arith.andi %shift_right_logical3A_664, %and3A_666 : vector<16xi32>
        %and3A_668 = arith.constant 127 : i32
        %and3A_669 = vector.broadcast %and3A_668 : i32 to vector<16xi32>
        %and3A_670 = arith.andi %get3A_661, %and3A_669 : vector<16xi32>
        %shift_right_logical3A_671 = arith.constant 27 : i32
        %shift_right_logical3A_672 = vector.broadcast %shift_right_logical3A_671 : i32 to vector<16xi32>
        %shift_right_logical3A_673 = arith.shrui %get3A_661, %shift_right_logical3A_672 : vector<16xi32>
        %gather3A_674 = arith.constant 0 : i32
        %gather3A_675 = arith.constant 0 : i32
        %gather3A_676 = arith.constant 0 : i32
        %gather3A_677 = tpu.memref_slice %arg5[%gather3A_674, %gather3A_675, %gather3A_676] : memref<2x256x128xi32, #tpu.memory_space<vmem>> -> memref<1x256x128xi32, #tpu.memory_space<vmem>>
        %gather3A_678 = tpu.memref_squeeze %gather3A_677 : memref<1x256x128xi32, #tpu.memory_space<vmem>> -> memref<256x128xi32, #tpu.memory_space<vmem>>
        %gather3A_679 = tpu.vector_load_idx %gather3A_678[%and3A_667, %and3A_670] : memref<256x128xi32, #tpu.memory_space<vmem>>[vector<16xi32>, vector<16xi32>], vector<16xi32>,
        %shift_left3A_680 = arith.shli %gather3A_679, %shift_right_logical3A_673 : vector<16xi32>
        %and3A_681 = arith.constant -65536 : i32
        %and3A_682 = vector.broadcast %and3A_681 : i32 to vector<16xi32>
        %and3A_683 = arith.andi %shift_left3A_680, %and3A_682 : vector<16xi32>
        %bitcast3A_684 = vector.bitcast %and3A_683 : vector<16xi32> to vector<16xf32>
        %add3A_685 = arith.addf %scan3A_241, %bitcast3A_684 : vector<16xf32>
        %mul3A_686 = arith.constant 256 : i32
        %mul3A_687 = arith.muli %scan3A_227, %mul3A_686 : i32
        %add3A_688 = arith.constant 0 : i32
        %add3A_689 = arith.addi %add3A_688, %mul3A_687 : i32
        %add3A_690 = arith.constant 224 : i32
        %add3A_691 = arith.addi %add3A_689, %add3A_690 : i32
        %get3A_692 = arith.index_cast %add3A_691 : i32 to index
        %get3A_693 = tpu.vector_load %arg6[%get3A_692] {strides = array<i32>} : memref<32768xi32, #tpu.memory_space<vmem>>, vector<16xi32>,
        %shift_right_logical3A_694 = arith.constant 7 : i32
        %shift_right_logical3A_695 = vector.broadcast %shift_right_logical3A_694 : i32 to vector<16xi32>
        %shift_right_logical3A_696 = arith.shrui %get3A_693, %shift_right_logical3A_695 : vector<16xi32>
        %and3A_697 = arith.constant 255 : i32
        %and3A_698 = vector.broadcast %and3A_697 : i32 to vector<16xi32>
        %and3A_699 = arith.andi %shift_right_logical3A_696, %and3A_698 : vector<16xi32>
        %and3A_700 = arith.constant 127 : i32
        %and3A_701 = vector.broadcast %and3A_700 : i32 to vector<16xi32>
        %and3A_702 = arith.andi %get3A_693, %and3A_701 : vector<16xi32>
        %shift_right_logical3A_703 = arith.constant 27 : i32
        %shift_right_logical3A_704 = vector.broadcast %shift_right_logical3A_703 : i32 to vector<16xi32>
        %shift_right_logical3A_705 = arith.shrui %get3A_693, %shift_right_logical3A_704 : vector<16xi32>
        %gather3A_706 = arith.constant 0 : i32
        %gather3A_707 = arith.constant 0 : i32
        %gather3A_708 = arith.constant 0 : i32
        %gather3A_709 = tpu.memref_slice %arg5[%gather3A_706, %gather3A_707, %gather3A_708] : memref<2x256x128xi32, #tpu.memory_space<vmem>> -> memref<1x256x128xi32, #tpu.memory_space<vmem>>
        %gather3A_710 = tpu.memref_squeeze %gather3A_709 : memref<1x256x128xi32, #tpu.memory_space<vmem>> -> memref<256x128xi32, #tpu.memory_space<vmem>>
        %gather3A_711 = tpu.vector_load_idx %gather3A_710[%and3A_699, %and3A_702] : memref<256x128xi32, #tpu.memory_space<vmem>>[vector<16xi32>, vector<16xi32>], vector<16xi32>,
        %shift_left3A_712 = arith.shli %gather3A_711, %shift_right_logical3A_705 : vector<16xi32>
        %and3A_713 = arith.constant -65536 : i32
        %and3A_714 = vector.broadcast %and3A_713 : i32 to vector<16xi32>
        %and3A_715 = arith.andi %shift_left3A_712, %and3A_714 : vector<16xi32>
        %bitcast3A_716 = vector.bitcast %and3A_715 : vector<16xi32> to vector<16xf32>
        %add3A_717 = arith.addf %scan3A_242, %bitcast3A_716 : vector<16xf32>
        %mul3A_718 = arith.constant 256 : i32
        %mul3A_719 = arith.muli %scan3A_227, %mul3A_718 : i32
        %add3A_720 = arith.constant 0 : i32
        %add3A_721 = arith.addi %add3A_720, %mul3A_719 : i32
        %add3A_722 = arith.constant 240 : i32
        %add3A_723 = arith.addi %add3A_721, %add3A_722 : i32
        %get3A_724 = arith.index_cast %add3A_723 : i32 to index
        %get3A_725 = tpu.vector_load %arg6[%get3A_724] {strides = array<i32>} : memref<32768xi32, #tpu.memory_space<vmem>>, vector<16xi32>,
        %shift_right_logical3A_726 = arith.constant 7 : i32
        %shift_right_logical3A_727 = vector.broadcast %shift_right_logical3A_726 : i32 to vector<16xi32>
        %shift_right_logical3A_728 = arith.shrui %get3A_725, %shift_right_logical3A_727 : vector<16xi32>
        %and3A_729 = arith.constant 255 : i32
        %and3A_730 = vector.broadcast %and3A_729 : i32 to vector<16xi32>
        %and3A_731 = arith.andi %shift_right_logical3A_728, %and3A_730 : vector<16xi32>
        %and3A_732 = arith.constant 127 : i32
        %and3A_733 = vector.broadcast %and3A_732 : i32 to vector<16xi32>
        %and3A_734 = arith.andi %get3A_725, %and3A_733 : vector<16xi32>
        %shift_right_logical3A_735 = arith.constant 27 : i32
        %shift_right_logical3A_736 = vector.broadcast %shift_right_logical3A_735 : i32 to vector<16xi32>
        %shift_right_logical3A_737 = arith.shrui %get3A_725, %shift_right_logical3A_736 : vector<16xi32>
        %gather3A_738 = arith.constant 0 : i32
        %gather3A_739 = arith.constant 0 : i32
        %gather3A_740 = arith.constant 0 : i32
        %gather3A_741 = tpu.memref_slice %arg5[%gather3A_738, %gather3A_739, %gather3A_740] : memref<2x256x128xi32, #tpu.memory_space<vmem>> -> memref<1x256x128xi32, #tpu.memory_space<vmem>>
        %gather3A_742 = tpu.memref_squeeze %gather3A_741 : memref<1x256x128xi32, #tpu.memory_space<vmem>> -> memref<256x128xi32, #tpu.memory_space<vmem>>
        %gather3A_743 = tpu.vector_load_idx %gather3A_742[%and3A_731, %and3A_734] : memref<256x128xi32, #tpu.memory_space<vmem>>[vector<16xi32>, vector<16xi32>], vector<16xi32>,
        %shift_left3A_744 = arith.shli %gather3A_743, %shift_right_logical3A_737 : vector<16xi32>
        %and3A_745 = arith.constant -65536 : i32
        %and3A_746 = vector.broadcast %and3A_745 : i32 to vector<16xi32>
        %and3A_747 = arith.andi %shift_left3A_744, %and3A_746 : vector<16xi32>
        %bitcast3A_748 = vector.bitcast %and3A_747 : vector<16xi32> to vector<16xf32>
        %add3A_749 = arith.addf %scan3A_243, %bitcast3A_748 : vector<16xf32>
        scf.yield %add3A_269, %add3A_301, %add3A_333, %add3A_365, %add3A_397, %add3A_429, %add3A_461, %add3A_493, %add3A_525, %add3A_557, %add3A_589, %add3A_621, %add3A_653, %add3A_685, %add3A_717, %add3A_749 : vector<16xf32>, vector<16xf32>, vector<16xf32>, vector<16xf32>, vector<16xf32>, vector<16xf32>, vector<16xf32>, vector<16xf32>, vector<16xf32>, vector<16xf32>, vector<16xf32>, vector<16xf32>, vector<16xf32>, vector<16xf32>, vector<16xf32>, vector<16xf32>
      }
      %scan3A_185 = arith.constant 64 : i32
      %lt3A = arith.constant 1 : i32
      %lt3A_186 = arith.cmpi slt, %scan3A_98, %lt3A : i32
      %convert_element_type3A = arith.extui %lt3A_186 : i1 to i32
      %cond3A = arith.constant 0 : i32
      %cond3A_187 = arith.cmpi ne, %convert_element_type3A, %cond3A : i32
      scf.if %cond3A_187 {
        %add3A_227 = arith.constant 2 : i32
        %add3A_228 = arith.addi %mul3A_116, %add3A_227 : i32
        %mul3A_229 = arith.constant 1024 : i32
        %mul3A_230 = arith.muli %add3A, %mul3A_229 : i32
        %mul3A_231 = arith.constant 256 : i32
        %mul3A_232 = arith.muli %add3A_228, %mul3A_231 : i32
        %add3A_233 = arith.addi %mul3A_230, %mul3A_232 : i32
        %mul3A_234 = arith.constant 256 : i32
        %mul3A_235 = arith.muli %add3A, %mul3A_234 : i32
        %mul3A_236 = arith.constant 64 : i32
        %mul3A_237 = arith.muli %add3A_228, %mul3A_236 : i32
        %add3A_238 = arith.addi %mul3A_235, %mul3A_237 : i32
        %mul3A_239 = arith.constant 256 : i32
        %mul3A_240 = arith.muli %add3A_238, %mul3A_239 : i32
        %dma_start3A_241 = arith.constant 0 : i32
        %dma_start3A_242 = arith.constant 0 : i32
        %dma_start3A_243 = arith.constant 0 : i32
        %dma_start3A_244 = tpu.memref_slice %arg5[%dma_start3A_241, %dma_start3A_242, %dma_start3A_243] : memref<2x256x128xi32, #tpu.memory_space<vmem>> -> memref<1x256x128xi32, #tpu.memory_space<vmem>>
        %dma_start3A_245 = tpu.memref_squeeze %dma_start3A_244 : memref<1x256x128xi32, #tpu.memory_space<vmem>> -> memref<256x128xi32, #tpu.memory_space<vmem>>
        %dma_start3A_246 = arith.constant 0 : i32
        %dma_start3A_247 = tpu.memref_slice %arg2[%add3A_233, %dma_start3A_246] : memref<32768x128xi32, #tpu.memory_space<hbm>> -> memref<256x128xi32, #tpu.memory_space<hbm>>
        %dma_start3A_248 = arith.constant 0 : i32
        %dma_start3A_249 = arith.constant 0 : i32
        %dma_start3A_250 = tpu.memref_slice %arg5[%dma_start3A_241, %dma_start3A_248, %dma_start3A_249] : memref<2x256x128xi32, #tpu.memory_space<vmem>> -> memref<1x256x128xi32, #tpu.memory_space<vmem>>
        %dma_start3A_251 = tpu.memref_squeeze %dma_start3A_250 : memref<1x256x128xi32, #tpu.memory_space<vmem>> -> memref<256x128xi32, #tpu.memory_space<vmem>>
        %dma_start3A_252 = arith.constant 0 : i32
        %dma_start3A_253 = tpu.memref_slice %arg2[%add3A_233, %dma_start3A_252] : memref<32768x128xi32, #tpu.memory_space<hbm>> -> memref<256x128xi32, #tpu.memory_space<hbm>>
        tpu.enqueue_dma source(%dma_start3A_253 : memref<256x128xi32, #tpu.memory_space<hbm>>) target(%dma_start3A_251 : memref<256x128xi32, #tpu.memory_space<vmem>>) target_semaphore(%arg8 : memref<!tpu.dma_semaphore, #tpu.memory_space<semaphore_mem>>)
        %dma_start3A_254 = arith.constant 0 : i32
        %dma_start3A_255 = tpu.memref_slice %arg6[%dma_start3A_254] : memref<32768xi32, #tpu.memory_space<vmem>> -> memref<16384xi32, #tpu.memory_space<vmem>>
        %dma_start3A_256 = tpu.memref_slice %arg3[%mul3A_240] : memref<2097152xi32, #tpu.memory_space<hbm>> -> memref<16384xi32, #tpu.memory_space<hbm>>
        %dma_start3A_257 = arith.constant 0 : i32
        %dma_start3A_258 = tpu.memref_slice %arg6[%dma_start3A_257] : memref<32768xi32, #tpu.memory_space<vmem>> -> memref<16384xi32, #tpu.memory_space<vmem>>
        %dma_start3A_259 = tpu.memref_slice %arg3[%mul3A_240] : memref<2097152xi32, #tpu.memory_space<hbm>> -> memref<16384xi32, #tpu.memory_space<hbm>>
        tpu.enqueue_dma source(%dma_start3A_259 : memref<16384xi32, #tpu.memory_space<hbm>>) target(%dma_start3A_258 : memref<16384xi32, #tpu.memory_space<vmem>>) target_semaphore(%arg9 : memref<!tpu.dma_semaphore, #tpu.memory_space<semaphore_mem>>)
      } else {
      }
      %add3A_188 = arith.constant 1 : i32
      %add3A_189 = arith.addi %mul3A_116, %add3A_188 : i32
      %mul3A_190 = arith.constant 1024 : i32
      %mul3A_191 = arith.muli %add3A, %mul3A_190 : i32
      %mul3A_192 = arith.constant 256 : i32
      %mul3A_193 = arith.muli %add3A_189, %mul3A_192 : i32
      %add3A_194 = arith.addi %mul3A_191, %mul3A_193 : i32
      %mul3A_195 = arith.constant 256 : i32
      %mul3A_196 = arith.muli %add3A, %mul3A_195 : i32
      %mul3A_197 = arith.constant 64 : i32
      %mul3A_198 = arith.muli %add3A_189, %mul3A_197 : i32
      %add3A_199 = arith.addi %mul3A_196, %mul3A_198 : i32
      %mul3A_200 = arith.constant 256 : i32
      %mul3A_201 = arith.muli %add3A_199, %mul3A_200 : i32
      %dma_wait3A_202 = arith.constant 1 : i32
      %dma_wait3A_203 = arith.constant 0 : i32
      %dma_wait3A_204 = arith.constant 0 : i32
      %dma_wait3A_205 = tpu.memref_slice %arg5[%dma_wait3A_202, %dma_wait3A_203, %dma_wait3A_204] : memref<2x256x128xi32, #tpu.memory_space<vmem>> -> memref<1x256x128xi32, #tpu.memory_space<vmem>>
      %dma_wait3A_206 = tpu.memref_squeeze %dma_wait3A_205 : memref<1x256x128xi32, #tpu.memory_space<vmem>> -> memref<256x128xi32, #tpu.memory_space<vmem>>
      %dma_wait3A_207 = arith.constant 0 : i32
      %dma_wait3A_208 = tpu.memref_slice %arg2[%add3A_194, %dma_wait3A_207] : memref<32768x128xi32, #tpu.memory_space<hbm>> -> memref<256x128xi32, #tpu.memory_space<hbm>>
      %dma_wait3A_209 = arith.constant 0 : i32
      %dma_wait3A_210 = arith.constant 0 : i32
      %dma_wait3A_211 = tpu.memref_slice %arg5[%dma_wait3A_202, %dma_wait3A_209, %dma_wait3A_210] : memref<2x256x128xi32, #tpu.memory_space<vmem>> -> memref<1x256x128xi32, #tpu.memory_space<vmem>>
      %dma_wait3A_212 = tpu.memref_squeeze %dma_wait3A_211 : memref<1x256x128xi32, #tpu.memory_space<vmem>> -> memref<256x128xi32, #tpu.memory_space<vmem>>
      %dma_wait3A_213 = arith.constant 0 : i32
      %dma_wait3A_214 = tpu.memref_slice %arg2[%add3A_194, %dma_wait3A_213] : memref<32768x128xi32, #tpu.memory_space<hbm>> -> memref<256x128xi32, #tpu.memory_space<hbm>>
      tpu.wait_dma2 semaphore(%arg10 : memref<!tpu.dma_semaphore, #tpu.memory_space<semaphore_mem>>) src(%dma_wait3A_214 : memref<256x128xi32, #tpu.memory_space<hbm>>) dst(%dma_wait3A_212 : memref<256x128xi32, #tpu.memory_space<vmem>>)
      %dma_wait3A_215 = arith.constant 16384 : i32
      %dma_wait3A_216 = tpu.memref_slice %arg6[%dma_wait3A_215] : memref<32768xi32, #tpu.memory_space<vmem>> -> memref<16384xi32, #tpu.memory_space<vmem>>
      %dma_wait3A_217 = tpu.memref_slice %arg3[%mul3A_201] : memref<2097152xi32, #tpu.memory_space<hbm>> -> memref<16384xi32, #tpu.memory_space<hbm>>
      %dma_wait3A_218 = arith.constant 16384 : i32
      %dma_wait3A_219 = tpu.memref_slice %arg6[%dma_wait3A_218] : memref<32768xi32, #tpu.memory_space<vmem>> -> memref<16384xi32, #tpu.memory_space<vmem>>
      %dma_wait3A_220 = tpu.memref_slice %arg3[%mul3A_201] : memref<2097152xi32, #tpu.memory_space<hbm>> -> memref<16384xi32, #tpu.memory_space<hbm>>
      tpu.wait_dma2 semaphore(%arg11 : memref<!tpu.dma_semaphore, #tpu.memory_space<semaphore_mem>>) src(%dma_wait3A_220 : memref<16384xi32, #tpu.memory_space<hbm>>) dst(%dma_wait3A_219 : memref<16384xi32, #tpu.memory_space<vmem>>)
      %scan3A_221 = arith.constant 0 : i32
      %scan3A_222 = arith.constant 64 : i32
      %scan3A_223 = arith.addi %scan3A_221, %scan3A_222 : i32
      %scan3A_224 = arith.constant 1 : i32
      %scan3A_225:16 = scf.for %scan3A_227 = %scan3A_221 to %scan3A_223 step %scan3A_224 iter_args(%scan3A_228 = %scan3A_184#0, %scan3A_229 = %scan3A_184#1, %scan3A_230 = %scan3A_184#2, %scan3A_231 = %scan3A_184#3, %scan3A_232 = %scan3A_184#4, %scan3A_233 = %scan3A_184#5, %scan3A_234 = %scan3A_184#6, %scan3A_235 = %scan3A_184#7, %scan3A_236 = %scan3A_184#8, %scan3A_237 = %scan3A_184#9, %scan3A_238 = %scan3A_184#10, %scan3A_239 = %scan3A_184#11, %scan3A_240 = %scan3A_184#12, %scan3A_241 = %scan3A_184#13, %scan3A_242 = %scan3A_184#14, %scan3A_243 = %scan3A_184#15) -> (vector<16xf32>, vector<16xf32>, vector<16xf32>, vector<16xf32>, vector<16xf32>, vector<16xf32>, vector<16xf32>, vector<16xf32>, vector<16xf32>, vector<16xf32>, vector<16xf32>, vector<16xf32>, vector<16xf32>, vector<16xf32>, vector<16xf32>, vector<16xf32>)  : i32 {
        %mul3A_244 = arith.constant 256 : i32
        %mul3A_245 = arith.muli %scan3A_227, %mul3A_244 : i32
        %add3A_246 = arith.constant 16384 : i32
        %add3A_247 = arith.addi %add3A_246, %mul3A_245 : i32
        %add3A_248 = arith.constant 0 : i32
        %add3A_249 = arith.addi %add3A_247, %add3A_248 : i32
        %get3A = arith.index_cast %add3A_249 : i32 to index
        %get3A_250 = tpu.vector_load %arg6[%get3A] {strides = array<i32>} : memref<32768xi32, #tpu.memory_space<vmem>>, vector<16xi32>,
        %shift_right_logical3A = arith.constant 7 : i32
        %shift_right_logical3A_251 = vector.broadcast %shift_right_logical3A : i32 to vector<16xi32>
        %shift_right_logical3A_252 = arith.shrui %get3A_250, %shift_right_logical3A_251 : vector<16xi32>
        %and3A = arith.constant 255 : i32
        %and3A_253 = vector.broadcast %and3A : i32 to vector<16xi32>
        %and3A_254 = arith.andi %shift_right_logical3A_252, %and3A_253 : vector<16xi32>
        %and3A_255 = arith.constant 127 : i32
        %and3A_256 = vector.broadcast %and3A_255 : i32 to vector<16xi32>
        %and3A_257 = arith.andi %get3A_250, %and3A_256 : vector<16xi32>
        %shift_right_logical3A_258 = arith.constant 27 : i32
        %shift_right_logical3A_259 = vector.broadcast %shift_right_logical3A_258 : i32 to vector<16xi32>
        %shift_right_logical3A_260 = arith.shrui %get3A_250, %shift_right_logical3A_259 : vector<16xi32>
        %gather3A = arith.constant 1 : i32
        %gather3A_261 = arith.constant 0 : i32
        %gather3A_262 = arith.constant 0 : i32
        %gather3A_263 = tpu.memref_slice %arg5[%gather3A, %gather3A_261, %gather3A_262] : memref<2x256x128xi32, #tpu.memory_space<vmem>> -> memref<1x256x128xi32, #tpu.memory_space<vmem>>
        %gather3A_264 = tpu.memref_squeeze %gather3A_263 : memref<1x256x128xi32, #tpu.memory_space<vmem>> -> memref<256x128xi32, #tpu.memory_space<vmem>>
        %gather3A_265 = tpu.vector_load_idx %gather3A_264[%and3A_254, %and3A_257] : memref<256x128xi32, #tpu.memory_space<vmem>>[vector<16xi32>, vector<16xi32>], vector<16xi32>,
        %shift_left3A = arith.shli %gather3A_265, %shift_right_logical3A_260 : vector<16xi32>
        %and3A_266 = arith.constant -65536 : i32
        %and3A_267 = vector.broadcast %and3A_266 : i32 to vector<16xi32>
        %and3A_268 = arith.andi %shift_left3A, %and3A_267 : vector<16xi32>
        %bitcast3A = vector.bitcast %and3A_268 : vector<16xi32> to vector<16xf32>
        %add3A_269 = arith.addf %scan3A_228, %bitcast3A : vector<16xf32>
        %mul3A_270 = arith.constant 256 : i32
        %mul3A_271 = arith.muli %scan3A_227, %mul3A_270 : i32
        %add3A_272 = arith.constant 16384 : i32
        %add3A_273 = arith.addi %add3A_272, %mul3A_271 : i32
        %add3A_274 = arith.constant 16 : i32
        %add3A_275 = arith.addi %add3A_273, %add3A_274 : i32
        %get3A_276 = arith.index_cast %add3A_275 : i32 to index
        %get3A_277 = tpu.vector_load %arg6[%get3A_276] {strides = array<i32>} : memref<32768xi32, #tpu.memory_space<vmem>>, vector<16xi32>,
        %shift_right_logical3A_278 = arith.constant 7 : i32
        %shift_right_logical3A_279 = vector.broadcast %shift_right_logical3A_278 : i32 to vector<16xi32>
        %shift_right_logical3A_280 = arith.shrui %get3A_277, %shift_right_logical3A_279 : vector<16xi32>
        %and3A_281 = arith.constant 255 : i32
        %and3A_282 = vector.broadcast %and3A_281 : i32 to vector<16xi32>
        %and3A_283 = arith.andi %shift_right_logical3A_280, %and3A_282 : vector<16xi32>
        %and3A_284 = arith.constant 127 : i32
        %and3A_285 = vector.broadcast %and3A_284 : i32 to vector<16xi32>
        %and3A_286 = arith.andi %get3A_277, %and3A_285 : vector<16xi32>
        %shift_right_logical3A_287 = arith.constant 27 : i32
        %shift_right_logical3A_288 = vector.broadcast %shift_right_logical3A_287 : i32 to vector<16xi32>
        %shift_right_logical3A_289 = arith.shrui %get3A_277, %shift_right_logical3A_288 : vector<16xi32>
        %gather3A_290 = arith.constant 1 : i32
        %gather3A_291 = arith.constant 0 : i32
        %gather3A_292 = arith.constant 0 : i32
        %gather3A_293 = tpu.memref_slice %arg5[%gather3A_290, %gather3A_291, %gather3A_292] : memref<2x256x128xi32, #tpu.memory_space<vmem>> -> memref<1x256x128xi32, #tpu.memory_space<vmem>>
        %gather3A_294 = tpu.memref_squeeze %gather3A_293 : memref<1x256x128xi32, #tpu.memory_space<vmem>> -> memref<256x128xi32, #tpu.memory_space<vmem>>
        %gather3A_295 = tpu.vector_load_idx %gather3A_294[%and3A_283, %and3A_286] : memref<256x128xi32, #tpu.memory_space<vmem>>[vector<16xi32>, vector<16xi32>], vector<16xi32>,
        %shift_left3A_296 = arith.shli %gather3A_295, %shift_right_logical3A_289 : vector<16xi32>
        %and3A_297 = arith.constant -65536 : i32
        %and3A_298 = vector.broadcast %and3A_297 : i32 to vector<16xi32>
        %and3A_299 = arith.andi %shift_left3A_296, %and3A_298 : vector<16xi32>
        %bitcast3A_300 = vector.bitcast %and3A_299 : vector<16xi32> to vector<16xf32>
        %add3A_301 = arith.addf %scan3A_229, %bitcast3A_300 : vector<16xf32>
        %mul3A_302 = arith.constant 256 : i32
        %mul3A_303 = arith.muli %scan3A_227, %mul3A_302 : i32
        %add3A_304 = arith.constant 16384 : i32
        %add3A_305 = arith.addi %add3A_304, %mul3A_303 : i32
        %add3A_306 = arith.constant 32 : i32
        %add3A_307 = arith.addi %add3A_305, %add3A_306 : i32
        %get3A_308 = arith.index_cast %add3A_307 : i32 to index
        %get3A_309 = tpu.vector_load %arg6[%get3A_308] {strides = array<i32>} : memref<32768xi32, #tpu.memory_space<vmem>>, vector<16xi32>,
        %shift_right_logical3A_310 = arith.constant 7 : i32
        %shift_right_logical3A_311 = vector.broadcast %shift_right_logical3A_310 : i32 to vector<16xi32>
        %shift_right_logical3A_312 = arith.shrui %get3A_309, %shift_right_logical3A_311 : vector<16xi32>
        %and3A_313 = arith.constant 255 : i32
        %and3A_314 = vector.broadcast %and3A_313 : i32 to vector<16xi32>
        %and3A_315 = arith.andi %shift_right_logical3A_312, %and3A_314 : vector<16xi32>
        %and3A_316 = arith.constant 127 : i32
        %and3A_317 = vector.broadcast %and3A_316 : i32 to vector<16xi32>
        %and3A_318 = arith.andi %get3A_309, %and3A_317 : vector<16xi32>
        %shift_right_logical3A_319 = arith.constant 27 : i32
        %shift_right_logical3A_320 = vector.broadcast %shift_right_logical3A_319 : i32 to vector<16xi32>
        %shift_right_logical3A_321 = arith.shrui %get3A_309, %shift_right_logical3A_320 : vector<16xi32>
        %gather3A_322 = arith.constant 1 : i32
        %gather3A_323 = arith.constant 0 : i32
        %gather3A_324 = arith.constant 0 : i32
        %gather3A_325 = tpu.memref_slice %arg5[%gather3A_322, %gather3A_323, %gather3A_324] : memref<2x256x128xi32, #tpu.memory_space<vmem>> -> memref<1x256x128xi32, #tpu.memory_space<vmem>>
        %gather3A_326 = tpu.memref_squeeze %gather3A_325 : memref<1x256x128xi32, #tpu.memory_space<vmem>> -> memref<256x128xi32, #tpu.memory_space<vmem>>
        %gather3A_327 = tpu.vector_load_idx %gather3A_326[%and3A_315, %and3A_318] : memref<256x128xi32, #tpu.memory_space<vmem>>[vector<16xi32>, vector<16xi32>], vector<16xi32>,
        %shift_left3A_328 = arith.shli %gather3A_327, %shift_right_logical3A_321 : vector<16xi32>
        %and3A_329 = arith.constant -65536 : i32
        %and3A_330 = vector.broadcast %and3A_329 : i32 to vector<16xi32>
        %and3A_331 = arith.andi %shift_left3A_328, %and3A_330 : vector<16xi32>
        %bitcast3A_332 = vector.bitcast %and3A_331 : vector<16xi32> to vector<16xf32>
        %add3A_333 = arith.addf %scan3A_230, %bitcast3A_332 : vector<16xf32>
        %mul3A_334 = arith.constant 256 : i32
        %mul3A_335 = arith.muli %scan3A_227, %mul3A_334 : i32
        %add3A_336 = arith.constant 16384 : i32
        %add3A_337 = arith.addi %add3A_336, %mul3A_335 : i32
        %add3A_338 = arith.constant 48 : i32
        %add3A_339 = arith.addi %add3A_337, %add3A_338 : i32
        %get3A_340 = arith.index_cast %add3A_339 : i32 to index
        %get3A_341 = tpu.vector_load %arg6[%get3A_340] {strides = array<i32>} : memref<32768xi32, #tpu.memory_space<vmem>>, vector<16xi32>,
        %shift_right_logical3A_342 = arith.constant 7 : i32
        %shift_right_logical3A_343 = vector.broadcast %shift_right_logical3A_342 : i32 to vector<16xi32>
        %shift_right_logical3A_344 = arith.shrui %get3A_341, %shift_right_logical3A_343 : vector<16xi32>
        %and3A_345 = arith.constant 255 : i32
        %and3A_346 = vector.broadcast %and3A_345 : i32 to vector<16xi32>
        %and3A_347 = arith.andi %shift_right_logical3A_344, %and3A_346 : vector<16xi32>
        %and3A_348 = arith.constant 127 : i32
        %and3A_349 = vector.broadcast %and3A_348 : i32 to vector<16xi32>
        %and3A_350 = arith.andi %get3A_341, %and3A_349 : vector<16xi32>
        %shift_right_logical3A_351 = arith.constant 27 : i32
        %shift_right_logical3A_352 = vector.broadcast %shift_right_logical3A_351 : i32 to vector<16xi32>
        %shift_right_logical3A_353 = arith.shrui %get3A_341, %shift_right_logical3A_352 : vector<16xi32>
        %gather3A_354 = arith.constant 1 : i32
        %gather3A_355 = arith.constant 0 : i32
        %gather3A_356 = arith.constant 0 : i32
        %gather3A_357 = tpu.memref_slice %arg5[%gather3A_354, %gather3A_355, %gather3A_356] : memref<2x256x128xi32, #tpu.memory_space<vmem>> -> memref<1x256x128xi32, #tpu.memory_space<vmem>>
        %gather3A_358 = tpu.memref_squeeze %gather3A_357 : memref<1x256x128xi32, #tpu.memory_space<vmem>> -> memref<256x128xi32, #tpu.memory_space<vmem>>
        %gather3A_359 = tpu.vector_load_idx %gather3A_358[%and3A_347, %and3A_350] : memref<256x128xi32, #tpu.memory_space<vmem>>[vector<16xi32>, vector<16xi32>], vector<16xi32>,
        %shift_left3A_360 = arith.shli %gather3A_359, %shift_right_logical3A_353 : vector<16xi32>
        %and3A_361 = arith.constant -65536 : i32
        %and3A_362 = vector.broadcast %and3A_361 : i32 to vector<16xi32>
        %and3A_363 = arith.andi %shift_left3A_360, %and3A_362 : vector<16xi32>
        %bitcast3A_364 = vector.bitcast %and3A_363 : vector<16xi32> to vector<16xf32>
        %add3A_365 = arith.addf %scan3A_231, %bitcast3A_364 : vector<16xf32>
        %mul3A_366 = arith.constant 256 : i32
        %mul3A_367 = arith.muli %scan3A_227, %mul3A_366 : i32
        %add3A_368 = arith.constant 16384 : i32
        %add3A_369 = arith.addi %add3A_368, %mul3A_367 : i32
        %add3A_370 = arith.constant 64 : i32
        %add3A_371 = arith.addi %add3A_369, %add3A_370 : i32
        %get3A_372 = arith.index_cast %add3A_371 : i32 to index
        %get3A_373 = tpu.vector_load %arg6[%get3A_372] {strides = array<i32>} : memref<32768xi32, #tpu.memory_space<vmem>>, vector<16xi32>,
        %shift_right_logical3A_374 = arith.constant 7 : i32
        %shift_right_logical3A_375 = vector.broadcast %shift_right_logical3A_374 : i32 to vector<16xi32>
        %shift_right_logical3A_376 = arith.shrui %get3A_373, %shift_right_logical3A_375 : vector<16xi32>
        %and3A_377 = arith.constant 255 : i32
        %and3A_378 = vector.broadcast %and3A_377 : i32 to vector<16xi32>
        %and3A_379 = arith.andi %shift_right_logical3A_376, %and3A_378 : vector<16xi32>
        %and3A_380 = arith.constant 127 : i32
        %and3A_381 = vector.broadcast %and3A_380 : i32 to vector<16xi32>
        %and3A_382 = arith.andi %get3A_373, %and3A_381 : vector<16xi32>
        %shift_right_logical3A_383 = arith.constant 27 : i32
        %shift_right_logical3A_384 = vector.broadcast %shift_right_logical3A_383 : i32 to vector<16xi32>
        %shift_right_logical3A_385 = arith.shrui %get3A_373, %shift_right_logical3A_384 : vector<16xi32>
        %gather3A_386 = arith.constant 1 : i32
        %gather3A_387 = arith.constant 0 : i32
        %gather3A_388 = arith.constant 0 : i32
        %gather3A_389 = tpu.memref_slice %arg5[%gather3A_386, %gather3A_387, %gather3A_388] : memref<2x256x128xi32, #tpu.memory_space<vmem>> -> memref<1x256x128xi32, #tpu.memory_space<vmem>>
        %gather3A_390 = tpu.memref_squeeze %gather3A_389 : memref<1x256x128xi32, #tpu.memory_space<vmem>> -> memref<256x128xi32, #tpu.memory_space<vmem>>
        %gather3A_391 = tpu.vector_load_idx %gather3A_390[%and3A_379, %and3A_382] : memref<256x128xi32, #tpu.memory_space<vmem>>[vector<16xi32>, vector<16xi32>], vector<16xi32>,
        %shift_left3A_392 = arith.shli %gather3A_391, %shift_right_logical3A_385 : vector<16xi32>
        %and3A_393 = arith.constant -65536 : i32
        %and3A_394 = vector.broadcast %and3A_393 : i32 to vector<16xi32>
        %and3A_395 = arith.andi %shift_left3A_392, %and3A_394 : vector<16xi32>
        %bitcast3A_396 = vector.bitcast %and3A_395 : vector<16xi32> to vector<16xf32>
        %add3A_397 = arith.addf %scan3A_232, %bitcast3A_396 : vector<16xf32>
        %mul3A_398 = arith.constant 256 : i32
        %mul3A_399 = arith.muli %scan3A_227, %mul3A_398 : i32
        %add3A_400 = arith.constant 16384 : i32
        %add3A_401 = arith.addi %add3A_400, %mul3A_399 : i32
        %add3A_402 = arith.constant 80 : i32
        %add3A_403 = arith.addi %add3A_401, %add3A_402 : i32
        %get3A_404 = arith.index_cast %add3A_403 : i32 to index
        %get3A_405 = tpu.vector_load %arg6[%get3A_404] {strides = array<i32>} : memref<32768xi32, #tpu.memory_space<vmem>>, vector<16xi32>,
        %shift_right_logical3A_406 = arith.constant 7 : i32
        %shift_right_logical3A_407 = vector.broadcast %shift_right_logical3A_406 : i32 to vector<16xi32>
        %shift_right_logical3A_408 = arith.shrui %get3A_405, %shift_right_logical3A_407 : vector<16xi32>
        %and3A_409 = arith.constant 255 : i32
        %and3A_410 = vector.broadcast %and3A_409 : i32 to vector<16xi32>
        %and3A_411 = arith.andi %shift_right_logical3A_408, %and3A_410 : vector<16xi32>
        %and3A_412 = arith.constant 127 : i32
        %and3A_413 = vector.broadcast %and3A_412 : i32 to vector<16xi32>
        %and3A_414 = arith.andi %get3A_405, %and3A_413 : vector<16xi32>
        %shift_right_logical3A_415 = arith.constant 27 : i32
        %shift_right_logical3A_416 = vector.broadcast %shift_right_logical3A_415 : i32 to vector<16xi32>
        %shift_right_logical3A_417 = arith.shrui %get3A_405, %shift_right_logical3A_416 : vector<16xi32>
        %gather3A_418 = arith.constant 1 : i32
        %gather3A_419 = arith.constant 0 : i32
        %gather3A_420 = arith.constant 0 : i32
        %gather3A_421 = tpu.memref_slice %arg5[%gather3A_418, %gather3A_419, %gather3A_420] : memref<2x256x128xi32, #tpu.memory_space<vmem>> -> memref<1x256x128xi32, #tpu.memory_space<vmem>>
        %gather3A_422 = tpu.memref_squeeze %gather3A_421 : memref<1x256x128xi32, #tpu.memory_space<vmem>> -> memref<256x128xi32, #tpu.memory_space<vmem>>
        %gather3A_423 = tpu.vector_load_idx %gather3A_422[%and3A_411, %and3A_414] : memref<256x128xi32, #tpu.memory_space<vmem>>[vector<16xi32>, vector<16xi32>], vector<16xi32>,
        %shift_left3A_424 = arith.shli %gather3A_423, %shift_right_logical3A_417 : vector<16xi32>
        %and3A_425 = arith.constant -65536 : i32
        %and3A_426 = vector.broadcast %and3A_425 : i32 to vector<16xi32>
        %and3A_427 = arith.andi %shift_left3A_424, %and3A_426 : vector<16xi32>
        %bitcast3A_428 = vector.bitcast %and3A_427 : vector<16xi32> to vector<16xf32>
        %add3A_429 = arith.addf %scan3A_233, %bitcast3A_428 : vector<16xf32>
        %mul3A_430 = arith.constant 256 : i32
        %mul3A_431 = arith.muli %scan3A_227, %mul3A_430 : i32
        %add3A_432 = arith.constant 16384 : i32
        %add3A_433 = arith.addi %add3A_432, %mul3A_431 : i32
        %add3A_434 = arith.constant 96 : i32
        %add3A_435 = arith.addi %add3A_433, %add3A_434 : i32
        %get3A_436 = arith.index_cast %add3A_435 : i32 to index
        %get3A_437 = tpu.vector_load %arg6[%get3A_436] {strides = array<i32>} : memref<32768xi32, #tpu.memory_space<vmem>>, vector<16xi32>,
        %shift_right_logical3A_438 = arith.constant 7 : i32
        %shift_right_logical3A_439 = vector.broadcast %shift_right_logical3A_438 : i32 to vector<16xi32>
        %shift_right_logical3A_440 = arith.shrui %get3A_437, %shift_right_logical3A_439 : vector<16xi32>
        %and3A_441 = arith.constant 255 : i32
        %and3A_442 = vector.broadcast %and3A_441 : i32 to vector<16xi32>
        %and3A_443 = arith.andi %shift_right_logical3A_440, %and3A_442 : vector<16xi32>
        %and3A_444 = arith.constant 127 : i32
        %and3A_445 = vector.broadcast %and3A_444 : i32 to vector<16xi32>
        %and3A_446 = arith.andi %get3A_437, %and3A_445 : vector<16xi32>
        %shift_right_logical3A_447 = arith.constant 27 : i32
        %shift_right_logical3A_448 = vector.broadcast %shift_right_logical3A_447 : i32 to vector<16xi32>
        %shift_right_logical3A_449 = arith.shrui %get3A_437, %shift_right_logical3A_448 : vector<16xi32>
        %gather3A_450 = arith.constant 1 : i32
        %gather3A_451 = arith.constant 0 : i32
        %gather3A_452 = arith.constant 0 : i32
        %gather3A_453 = tpu.memref_slice %arg5[%gather3A_450, %gather3A_451, %gather3A_452] : memref<2x256x128xi32, #tpu.memory_space<vmem>> -> memref<1x256x128xi32, #tpu.memory_space<vmem>>
        %gather3A_454 = tpu.memref_squeeze %gather3A_453 : memref<1x256x128xi32, #tpu.memory_space<vmem>> -> memref<256x128xi32, #tpu.memory_space<vmem>>
        %gather3A_455 = tpu.vector_load_idx %gather3A_454[%and3A_443, %and3A_446] : memref<256x128xi32, #tpu.memory_space<vmem>>[vector<16xi32>, vector<16xi32>], vector<16xi32>,
        %shift_left3A_456 = arith.shli %gather3A_455, %shift_right_logical3A_449 : vector<16xi32>
        %and3A_457 = arith.constant -65536 : i32
        %and3A_458 = vector.broadcast %and3A_457 : i32 to vector<16xi32>
        %and3A_459 = arith.andi %shift_left3A_456, %and3A_458 : vector<16xi32>
        %bitcast3A_460 = vector.bitcast %and3A_459 : vector<16xi32> to vector<16xf32>
        %add3A_461 = arith.addf %scan3A_234, %bitcast3A_460 : vector<16xf32>
        %mul3A_462 = arith.constant 256 : i32
        %mul3A_463 = arith.muli %scan3A_227, %mul3A_462 : i32
        %add3A_464 = arith.constant 16384 : i32
        %add3A_465 = arith.addi %add3A_464, %mul3A_463 : i32
        %add3A_466 = arith.constant 112 : i32
        %add3A_467 = arith.addi %add3A_465, %add3A_466 : i32
        %get3A_468 = arith.index_cast %add3A_467 : i32 to index
        %get3A_469 = tpu.vector_load %arg6[%get3A_468] {strides = array<i32>} : memref<32768xi32, #tpu.memory_space<vmem>>, vector<16xi32>,
        %shift_right_logical3A_470 = arith.constant 7 : i32
        %shift_right_logical3A_471 = vector.broadcast %shift_right_logical3A_470 : i32 to vector<16xi32>
        %shift_right_logical3A_472 = arith.shrui %get3A_469, %shift_right_logical3A_471 : vector<16xi32>
        %and3A_473 = arith.constant 255 : i32
        %and3A_474 = vector.broadcast %and3A_473 : i32 to vector<16xi32>
        %and3A_475 = arith.andi %shift_right_logical3A_472, %and3A_474 : vector<16xi32>
        %and3A_476 = arith.constant 127 : i32
        %and3A_477 = vector.broadcast %and3A_476 : i32 to vector<16xi32>
        %and3A_478 = arith.andi %get3A_469, %and3A_477 : vector<16xi32>
        %shift_right_logical3A_479 = arith.constant 27 : i32
        %shift_right_logical3A_480 = vector.broadcast %shift_right_logical3A_479 : i32 to vector<16xi32>
        %shift_right_logical3A_481 = arith.shrui %get3A_469, %shift_right_logical3A_480 : vector<16xi32>
        %gather3A_482 = arith.constant 1 : i32
        %gather3A_483 = arith.constant 0 : i32
        %gather3A_484 = arith.constant 0 : i32
        %gather3A_485 = tpu.memref_slice %arg5[%gather3A_482, %gather3A_483, %gather3A_484] : memref<2x256x128xi32, #tpu.memory_space<vmem>> -> memref<1x256x128xi32, #tpu.memory_space<vmem>>
        %gather3A_486 = tpu.memref_squeeze %gather3A_485 : memref<1x256x128xi32, #tpu.memory_space<vmem>> -> memref<256x128xi32, #tpu.memory_space<vmem>>
        %gather3A_487 = tpu.vector_load_idx %gather3A_486[%and3A_475, %and3A_478] : memref<256x128xi32, #tpu.memory_space<vmem>>[vector<16xi32>, vector<16xi32>], vector<16xi32>,
        %shift_left3A_488 = arith.shli %gather3A_487, %shift_right_logical3A_481 : vector<16xi32>
        %and3A_489 = arith.constant -65536 : i32
        %and3A_490 = vector.broadcast %and3A_489 : i32 to vector<16xi32>
        %and3A_491 = arith.andi %shift_left3A_488, %and3A_490 : vector<16xi32>
        %bitcast3A_492 = vector.bitcast %and3A_491 : vector<16xi32> to vector<16xf32>
        %add3A_493 = arith.addf %scan3A_235, %bitcast3A_492 : vector<16xf32>
        %mul3A_494 = arith.constant 256 : i32
        %mul3A_495 = arith.muli %scan3A_227, %mul3A_494 : i32
        %add3A_496 = arith.constant 16384 : i32
        %add3A_497 = arith.addi %add3A_496, %mul3A_495 : i32
        %add3A_498 = arith.constant 128 : i32
        %add3A_499 = arith.addi %add3A_497, %add3A_498 : i32
        %get3A_500 = arith.index_cast %add3A_499 : i32 to index
        %get3A_501 = tpu.vector_load %arg6[%get3A_500] {strides = array<i32>} : memref<32768xi32, #tpu.memory_space<vmem>>, vector<16xi32>,
        %shift_right_logical3A_502 = arith.constant 7 : i32
        %shift_right_logical3A_503 = vector.broadcast %shift_right_logical3A_502 : i32 to vector<16xi32>
        %shift_right_logical3A_504 = arith.shrui %get3A_501, %shift_right_logical3A_503 : vector<16xi32>
        %and3A_505 = arith.constant 255 : i32
        %and3A_506 = vector.broadcast %and3A_505 : i32 to vector<16xi32>
        %and3A_507 = arith.andi %shift_right_logical3A_504, %and3A_506 : vector<16xi32>
        %and3A_508 = arith.constant 127 : i32
        %and3A_509 = vector.broadcast %and3A_508 : i32 to vector<16xi32>
        %and3A_510 = arith.andi %get3A_501, %and3A_509 : vector<16xi32>
        %shift_right_logical3A_511 = arith.constant 27 : i32
        %shift_right_logical3A_512 = vector.broadcast %shift_right_logical3A_511 : i32 to vector<16xi32>
        %shift_right_logical3A_513 = arith.shrui %get3A_501, %shift_right_logical3A_512 : vector<16xi32>
        %gather3A_514 = arith.constant 1 : i32
        %gather3A_515 = arith.constant 0 : i32
        %gather3A_516 = arith.constant 0 : i32
        %gather3A_517 = tpu.memref_slice %arg5[%gather3A_514, %gather3A_515, %gather3A_516] : memref<2x256x128xi32, #tpu.memory_space<vmem>> -> memref<1x256x128xi32, #tpu.memory_space<vmem>>
        %gather3A_518 = tpu.memref_squeeze %gather3A_517 : memref<1x256x128xi32, #tpu.memory_space<vmem>> -> memref<256x128xi32, #tpu.memory_space<vmem>>
        %gather3A_519 = tpu.vector_load_idx %gather3A_518[%and3A_507, %and3A_510] : memref<256x128xi32, #tpu.memory_space<vmem>>[vector<16xi32>, vector<16xi32>], vector<16xi32>,
        %shift_left3A_520 = arith.shli %gather3A_519, %shift_right_logical3A_513 : vector<16xi32>
        %and3A_521 = arith.constant -65536 : i32
        %and3A_522 = vector.broadcast %and3A_521 : i32 to vector<16xi32>
        %and3A_523 = arith.andi %shift_left3A_520, %and3A_522 : vector<16xi32>
        %bitcast3A_524 = vector.bitcast %and3A_523 : vector<16xi32> to vector<16xf32>
        %add3A_525 = arith.addf %scan3A_236, %bitcast3A_524 : vector<16xf32>
        %mul3A_526 = arith.constant 256 : i32
        %mul3A_527 = arith.muli %scan3A_227, %mul3A_526 : i32
        %add3A_528 = arith.constant 16384 : i32
        %add3A_529 = arith.addi %add3A_528, %mul3A_527 : i32
        %add3A_530 = arith.constant 144 : i32
        %add3A_531 = arith.addi %add3A_529, %add3A_530 : i32
        %get3A_532 = arith.index_cast %add3A_531 : i32 to index
        %get3A_533 = tpu.vector_load %arg6[%get3A_532] {strides = array<i32>} : memref<32768xi32, #tpu.memory_space<vmem>>, vector<16xi32>,
        %shift_right_logical3A_534 = arith.constant 7 : i32
        %shift_right_logical3A_535 = vector.broadcast %shift_right_logical3A_534 : i32 to vector<16xi32>
        %shift_right_logical3A_536 = arith.shrui %get3A_533, %shift_right_logical3A_535 : vector<16xi32>
        %and3A_537 = arith.constant 255 : i32
        %and3A_538 = vector.broadcast %and3A_537 : i32 to vector<16xi32>
        %and3A_539 = arith.andi %shift_right_logical3A_536, %and3A_538 : vector<16xi32>
        %and3A_540 = arith.constant 127 : i32
        %and3A_541 = vector.broadcast %and3A_540 : i32 to vector<16xi32>
        %and3A_542 = arith.andi %get3A_533, %and3A_541 : vector<16xi32>
        %shift_right_logical3A_543 = arith.constant 27 : i32
        %shift_right_logical3A_544 = vector.broadcast %shift_right_logical3A_543 : i32 to vector<16xi32>
        %shift_right_logical3A_545 = arith.shrui %get3A_533, %shift_right_logical3A_544 : vector<16xi32>
        %gather3A_546 = arith.constant 1 : i32
        %gather3A_547 = arith.constant 0 : i32
        %gather3A_548 = arith.constant 0 : i32
        %gather3A_549 = tpu.memref_slice %arg5[%gather3A_546, %gather3A_547, %gather3A_548] : memref<2x256x128xi32, #tpu.memory_space<vmem>> -> memref<1x256x128xi32, #tpu.memory_space<vmem>>
        %gather3A_550 = tpu.memref_squeeze %gather3A_549 : memref<1x256x128xi32, #tpu.memory_space<vmem>> -> memref<256x128xi32, #tpu.memory_space<vmem>>
        %gather3A_551 = tpu.vector_load_idx %gather3A_550[%and3A_539, %and3A_542] : memref<256x128xi32, #tpu.memory_space<vmem>>[vector<16xi32>, vector<16xi32>], vector<16xi32>,
        %shift_left3A_552 = arith.shli %gather3A_551, %shift_right_logical3A_545 : vector<16xi32>
        %and3A_553 = arith.constant -65536 : i32
        %and3A_554 = vector.broadcast %and3A_553 : i32 to vector<16xi32>
        %and3A_555 = arith.andi %shift_left3A_552, %and3A_554 : vector<16xi32>
        %bitcast3A_556 = vector.bitcast %and3A_555 : vector<16xi32> to vector<16xf32>
        %add3A_557 = arith.addf %scan3A_237, %bitcast3A_556 : vector<16xf32>
        %mul3A_558 = arith.constant 256 : i32
        %mul3A_559 = arith.muli %scan3A_227, %mul3A_558 : i32
        %add3A_560 = arith.constant 16384 : i32
        %add3A_561 = arith.addi %add3A_560, %mul3A_559 : i32
        %add3A_562 = arith.constant 160 : i32
        %add3A_563 = arith.addi %add3A_561, %add3A_562 : i32
        %get3A_564 = arith.index_cast %add3A_563 : i32 to index
        %get3A_565 = tpu.vector_load %arg6[%get3A_564] {strides = array<i32>} : memref<32768xi32, #tpu.memory_space<vmem>>, vector<16xi32>,
        %shift_right_logical3A_566 = arith.constant 7 : i32
        %shift_right_logical3A_567 = vector.broadcast %shift_right_logical3A_566 : i32 to vector<16xi32>
        %shift_right_logical3A_568 = arith.shrui %get3A_565, %shift_right_logical3A_567 : vector<16xi32>
        %and3A_569 = arith.constant 255 : i32
        %and3A_570 = vector.broadcast %and3A_569 : i32 to vector<16xi32>
        %and3A_571 = arith.andi %shift_right_logical3A_568, %and3A_570 : vector<16xi32>
        %and3A_572 = arith.constant 127 : i32
        %and3A_573 = vector.broadcast %and3A_572 : i32 to vector<16xi32>
        %and3A_574 = arith.andi %get3A_565, %and3A_573 : vector<16xi32>
        %shift_right_logical3A_575 = arith.constant 27 : i32
        %shift_right_logical3A_576 = vector.broadcast %shift_right_logical3A_575 : i32 to vector<16xi32>
        %shift_right_logical3A_577 = arith.shrui %get3A_565, %shift_right_logical3A_576 : vector<16xi32>
        %gather3A_578 = arith.constant 1 : i32
        %gather3A_579 = arith.constant 0 : i32
        %gather3A_580 = arith.constant 0 : i32
        %gather3A_581 = tpu.memref_slice %arg5[%gather3A_578, %gather3A_579, %gather3A_580] : memref<2x256x128xi32, #tpu.memory_space<vmem>> -> memref<1x256x128xi32, #tpu.memory_space<vmem>>
        %gather3A_582 = tpu.memref_squeeze %gather3A_581 : memref<1x256x128xi32, #tpu.memory_space<vmem>> -> memref<256x128xi32, #tpu.memory_space<vmem>>
        %gather3A_583 = tpu.vector_load_idx %gather3A_582[%and3A_571, %and3A_574] : memref<256x128xi32, #tpu.memory_space<vmem>>[vector<16xi32>, vector<16xi32>], vector<16xi32>,
        %shift_left3A_584 = arith.shli %gather3A_583, %shift_right_logical3A_577 : vector<16xi32>
        %and3A_585 = arith.constant -65536 : i32
        %and3A_586 = vector.broadcast %and3A_585 : i32 to vector<16xi32>
        %and3A_587 = arith.andi %shift_left3A_584, %and3A_586 : vector<16xi32>
        %bitcast3A_588 = vector.bitcast %and3A_587 : vector<16xi32> to vector<16xf32>
        %add3A_589 = arith.addf %scan3A_238, %bitcast3A_588 : vector<16xf32>
        %mul3A_590 = arith.constant 256 : i32
        %mul3A_591 = arith.muli %scan3A_227, %mul3A_590 : i32
        %add3A_592 = arith.constant 16384 : i32
        %add3A_593 = arith.addi %add3A_592, %mul3A_591 : i32
        %add3A_594 = arith.constant 176 : i32
        %add3A_595 = arith.addi %add3A_593, %add3A_594 : i32
        %get3A_596 = arith.index_cast %add3A_595 : i32 to index
        %get3A_597 = tpu.vector_load %arg6[%get3A_596] {strides = array<i32>} : memref<32768xi32, #tpu.memory_space<vmem>>, vector<16xi32>,
        %shift_right_logical3A_598 = arith.constant 7 : i32
        %shift_right_logical3A_599 = vector.broadcast %shift_right_logical3A_598 : i32 to vector<16xi32>
        %shift_right_logical3A_600 = arith.shrui %get3A_597, %shift_right_logical3A_599 : vector<16xi32>
        %and3A_601 = arith.constant 255 : i32
        %and3A_602 = vector.broadcast %and3A_601 : i32 to vector<16xi32>
        %and3A_603 = arith.andi %shift_right_logical3A_600, %and3A_602 : vector<16xi32>
        %and3A_604 = arith.constant 127 : i32
        %and3A_605 = vector.broadcast %and3A_604 : i32 to vector<16xi32>
        %and3A_606 = arith.andi %get3A_597, %and3A_605 : vector<16xi32>
        %shift_right_logical3A_607 = arith.constant 27 : i32
        %shift_right_logical3A_608 = vector.broadcast %shift_right_logical3A_607 : i32 to vector<16xi32>
        %shift_right_logical3A_609 = arith.shrui %get3A_597, %shift_right_logical3A_608 : vector<16xi32>
        %gather3A_610 = arith.constant 1 : i32
        %gather3A_611 = arith.constant 0 : i32
        %gather3A_612 = arith.constant 0 : i32
        %gather3A_613 = tpu.memref_slice %arg5[%gather3A_610, %gather3A_611, %gather3A_612] : memref<2x256x128xi32, #tpu.memory_space<vmem>> -> memref<1x256x128xi32, #tpu.memory_space<vmem>>
        %gather3A_614 = tpu.memref_squeeze %gather3A_613 : memref<1x256x128xi32, #tpu.memory_space<vmem>> -> memref<256x128xi32, #tpu.memory_space<vmem>>
        %gather3A_615 = tpu.vector_load_idx %gather3A_614[%and3A_603, %and3A_606] : memref<256x128xi32, #tpu.memory_space<vmem>>[vector<16xi32>, vector<16xi32>], vector<16xi32>,
        %shift_left3A_616 = arith.shli %gather3A_615, %shift_right_logical3A_609 : vector<16xi32>
        %and3A_617 = arith.constant -65536 : i32
        %and3A_618 = vector.broadcast %and3A_617 : i32 to vector<16xi32>
        %and3A_619 = arith.andi %shift_left3A_616, %and3A_618 : vector<16xi32>
        %bitcast3A_620 = vector.bitcast %and3A_619 : vector<16xi32> to vector<16xf32>
        %add3A_621 = arith.addf %scan3A_239, %bitcast3A_620 : vector<16xf32>
        %mul3A_622 = arith.constant 256 : i32
        %mul3A_623 = arith.muli %scan3A_227, %mul3A_622 : i32
        %add3A_624 = arith.constant 16384 : i32
        %add3A_625 = arith.addi %add3A_624, %mul3A_623 : i32
        %add3A_626 = arith.constant 192 : i32
        %add3A_627 = arith.addi %add3A_625, %add3A_626 : i32
        %get3A_628 = arith.index_cast %add3A_627 : i32 to index
        %get3A_629 = tpu.vector_load %arg6[%get3A_628] {strides = array<i32>} : memref<32768xi32, #tpu.memory_space<vmem>>, vector<16xi32>,
        %shift_right_logical3A_630 = arith.constant 7 : i32
        %shift_right_logical3A_631 = vector.broadcast %shift_right_logical3A_630 : i32 to vector<16xi32>
        %shift_right_logical3A_632 = arith.shrui %get3A_629, %shift_right_logical3A_631 : vector<16xi32>
        %and3A_633 = arith.constant 255 : i32
        %and3A_634 = vector.broadcast %and3A_633 : i32 to vector<16xi32>
        %and3A_635 = arith.andi %shift_right_logical3A_632, %and3A_634 : vector<16xi32>
        %and3A_636 = arith.constant 127 : i32
        %and3A_637 = vector.broadcast %and3A_636 : i32 to vector<16xi32>
        %and3A_638 = arith.andi %get3A_629, %and3A_637 : vector<16xi32>
        %shift_right_logical3A_639 = arith.constant 27 : i32
        %shift_right_logical3A_640 = vector.broadcast %shift_right_logical3A_639 : i32 to vector<16xi32>
        %shift_right_logical3A_641 = arith.shrui %get3A_629, %shift_right_logical3A_640 : vector<16xi32>
        %gather3A_642 = arith.constant 1 : i32
        %gather3A_643 = arith.constant 0 : i32
        %gather3A_644 = arith.constant 0 : i32
        %gather3A_645 = tpu.memref_slice %arg5[%gather3A_642, %gather3A_643, %gather3A_644] : memref<2x256x128xi32, #tpu.memory_space<vmem>> -> memref<1x256x128xi32, #tpu.memory_space<vmem>>
        %gather3A_646 = tpu.memref_squeeze %gather3A_645 : memref<1x256x128xi32, #tpu.memory_space<vmem>> -> memref<256x128xi32, #tpu.memory_space<vmem>>
        %gather3A_647 = tpu.vector_load_idx %gather3A_646[%and3A_635, %and3A_638] : memref<256x128xi32, #tpu.memory_space<vmem>>[vector<16xi32>, vector<16xi32>], vector<16xi32>,
        %shift_left3A_648 = arith.shli %gather3A_647, %shift_right_logical3A_641 : vector<16xi32>
        %and3A_649 = arith.constant -65536 : i32
        %and3A_650 = vector.broadcast %and3A_649 : i32 to vector<16xi32>
        %and3A_651 = arith.andi %shift_left3A_648, %and3A_650 : vector<16xi32>
        %bitcast3A_652 = vector.bitcast %and3A_651 : vector<16xi32> to vector<16xf32>
        %add3A_653 = arith.addf %scan3A_240, %bitcast3A_652 : vector<16xf32>
        %mul3A_654 = arith.constant 256 : i32
        %mul3A_655 = arith.muli %scan3A_227, %mul3A_654 : i32
        %add3A_656 = arith.constant 16384 : i32
        %add3A_657 = arith.addi %add3A_656, %mul3A_655 : i32
        %add3A_658 = arith.constant 208 : i32
        %add3A_659 = arith.addi %add3A_657, %add3A_658 : i32
        %get3A_660 = arith.index_cast %add3A_659 : i32 to index
        %get3A_661 = tpu.vector_load %arg6[%get3A_660] {strides = array<i32>} : memref<32768xi32, #tpu.memory_space<vmem>>, vector<16xi32>,
        %shift_right_logical3A_662 = arith.constant 7 : i32
        %shift_right_logical3A_663 = vector.broadcast %shift_right_logical3A_662 : i32 to vector<16xi32>
        %shift_right_logical3A_664 = arith.shrui %get3A_661, %shift_right_logical3A_663 : vector<16xi32>
        %and3A_665 = arith.constant 255 : i32
        %and3A_666 = vector.broadcast %and3A_665 : i32 to vector<16xi32>
        %and3A_667 = arith.andi %shift_right_logical3A_664, %and3A_666 : vector<16xi32>
        %and3A_668 = arith.constant 127 : i32
        %and3A_669 = vector.broadcast %and3A_668 : i32 to vector<16xi32>
        %and3A_670 = arith.andi %get3A_661, %and3A_669 : vector<16xi32>
        %shift_right_logical3A_671 = arith.constant 27 : i32
        %shift_right_logical3A_672 = vector.broadcast %shift_right_logical3A_671 : i32 to vector<16xi32>
        %shift_right_logical3A_673 = arith.shrui %get3A_661, %shift_right_logical3A_672 : vector<16xi32>
        %gather3A_674 = arith.constant 1 : i32
        %gather3A_675 = arith.constant 0 : i32
        %gather3A_676 = arith.constant 0 : i32
        %gather3A_677 = tpu.memref_slice %arg5[%gather3A_674, %gather3A_675, %gather3A_676] : memref<2x256x128xi32, #tpu.memory_space<vmem>> -> memref<1x256x128xi32, #tpu.memory_space<vmem>>
        %gather3A_678 = tpu.memref_squeeze %gather3A_677 : memref<1x256x128xi32, #tpu.memory_space<vmem>> -> memref<256x128xi32, #tpu.memory_space<vmem>>
        %gather3A_679 = tpu.vector_load_idx %gather3A_678[%and3A_667, %and3A_670] : memref<256x128xi32, #tpu.memory_space<vmem>>[vector<16xi32>, vector<16xi32>], vector<16xi32>,
        %shift_left3A_680 = arith.shli %gather3A_679, %shift_right_logical3A_673 : vector<16xi32>
        %and3A_681 = arith.constant -65536 : i32
        %and3A_682 = vector.broadcast %and3A_681 : i32 to vector<16xi32>
        %and3A_683 = arith.andi %shift_left3A_680, %and3A_682 : vector<16xi32>
        %bitcast3A_684 = vector.bitcast %and3A_683 : vector<16xi32> to vector<16xf32>
        %add3A_685 = arith.addf %scan3A_241, %bitcast3A_684 : vector<16xf32>
        %mul3A_686 = arith.constant 256 : i32
        %mul3A_687 = arith.muli %scan3A_227, %mul3A_686 : i32
        %add3A_688 = arith.constant 16384 : i32
        %add3A_689 = arith.addi %add3A_688, %mul3A_687 : i32
        %add3A_690 = arith.constant 224 : i32
        %add3A_691 = arith.addi %add3A_689, %add3A_690 : i32
        %get3A_692 = arith.index_cast %add3A_691 : i32 to index
        %get3A_693 = tpu.vector_load %arg6[%get3A_692] {strides = array<i32>} : memref<32768xi32, #tpu.memory_space<vmem>>, vector<16xi32>,
        %shift_right_logical3A_694 = arith.constant 7 : i32
        %shift_right_logical3A_695 = vector.broadcast %shift_right_logical3A_694 : i32 to vector<16xi32>
        %shift_right_logical3A_696 = arith.shrui %get3A_693, %shift_right_logical3A_695 : vector<16xi32>
        %and3A_697 = arith.constant 255 : i32
        %and3A_698 = vector.broadcast %and3A_697 : i32 to vector<16xi32>
        %and3A_699 = arith.andi %shift_right_logical3A_696, %and3A_698 : vector<16xi32>
        %and3A_700 = arith.constant 127 : i32
        %and3A_701 = vector.broadcast %and3A_700 : i32 to vector<16xi32>
        %and3A_702 = arith.andi %get3A_693, %and3A_701 : vector<16xi32>
        %shift_right_logical3A_703 = arith.constant 27 : i32
        %shift_right_logical3A_704 = vector.broadcast %shift_right_logical3A_703 : i32 to vector<16xi32>
        %shift_right_logical3A_705 = arith.shrui %get3A_693, %shift_right_logical3A_704 : vector<16xi32>
        %gather3A_706 = arith.constant 1 : i32
        %gather3A_707 = arith.constant 0 : i32
        %gather3A_708 = arith.constant 0 : i32
        %gather3A_709 = tpu.memref_slice %arg5[%gather3A_706, %gather3A_707, %gather3A_708] : memref<2x256x128xi32, #tpu.memory_space<vmem>> -> memref<1x256x128xi32, #tpu.memory_space<vmem>>
        %gather3A_710 = tpu.memref_squeeze %gather3A_709 : memref<1x256x128xi32, #tpu.memory_space<vmem>> -> memref<256x128xi32, #tpu.memory_space<vmem>>
        %gather3A_711 = tpu.vector_load_idx %gather3A_710[%and3A_699, %and3A_702] : memref<256x128xi32, #tpu.memory_space<vmem>>[vector<16xi32>, vector<16xi32>], vector<16xi32>,
        %shift_left3A_712 = arith.shli %gather3A_711, %shift_right_logical3A_705 : vector<16xi32>
        %and3A_713 = arith.constant -65536 : i32
        %and3A_714 = vector.broadcast %and3A_713 : i32 to vector<16xi32>
        %and3A_715 = arith.andi %shift_left3A_712, %and3A_714 : vector<16xi32>
        %bitcast3A_716 = vector.bitcast %and3A_715 : vector<16xi32> to vector<16xf32>
        %add3A_717 = arith.addf %scan3A_242, %bitcast3A_716 : vector<16xf32>
        %mul3A_718 = arith.constant 256 : i32
        %mul3A_719 = arith.muli %scan3A_227, %mul3A_718 : i32
        %add3A_720 = arith.constant 16384 : i32
        %add3A_721 = arith.addi %add3A_720, %mul3A_719 : i32
        %add3A_722 = arith.constant 240 : i32
        %add3A_723 = arith.addi %add3A_721, %add3A_722 : i32
        %get3A_724 = arith.index_cast %add3A_723 : i32 to index
        %get3A_725 = tpu.vector_load %arg6[%get3A_724] {strides = array<i32>} : memref<32768xi32, #tpu.memory_space<vmem>>, vector<16xi32>,
        %shift_right_logical3A_726 = arith.constant 7 : i32
        %shift_right_logical3A_727 = vector.broadcast %shift_right_logical3A_726 : i32 to vector<16xi32>
        %shift_right_logical3A_728 = arith.shrui %get3A_725, %shift_right_logical3A_727 : vector<16xi32>
        %and3A_729 = arith.constant 255 : i32
        %and3A_730 = vector.broadcast %and3A_729 : i32 to vector<16xi32>
        %and3A_731 = arith.andi %shift_right_logical3A_728, %and3A_730 : vector<16xi32>
        %and3A_732 = arith.constant 127 : i32
        %and3A_733 = vector.broadcast %and3A_732 : i32 to vector<16xi32>
        %and3A_734 = arith.andi %get3A_725, %and3A_733 : vector<16xi32>
        %shift_right_logical3A_735 = arith.constant 27 : i32
        %shift_right_logical3A_736 = vector.broadcast %shift_right_logical3A_735 : i32 to vector<16xi32>
        %shift_right_logical3A_737 = arith.shrui %get3A_725, %shift_right_logical3A_736 : vector<16xi32>
        %gather3A_738 = arith.constant 1 : i32
        %gather3A_739 = arith.constant 0 : i32
        %gather3A_740 = arith.constant 0 : i32
        %gather3A_741 = tpu.memref_slice %arg5[%gather3A_738, %gather3A_739, %gather3A_740] : memref<2x256x128xi32, #tpu.memory_space<vmem>> -> memref<1x256x128xi32, #tpu.memory_space<vmem>>
        %gather3A_742 = tpu.memref_squeeze %gather3A_741 : memref<1x256x128xi32, #tpu.memory_space<vmem>> -> memref<256x128xi32, #tpu.memory_space<vmem>>
        %gather3A_743 = tpu.vector_load_idx %gather3A_742[%and3A_731, %and3A_734] : memref<256x128xi32, #tpu.memory_space<vmem>>[vector<16xi32>, vector<16xi32>], vector<16xi32>,
        %shift_left3A_744 = arith.shli %gather3A_743, %shift_right_logical3A_737 : vector<16xi32>
        %and3A_745 = arith.constant -65536 : i32
        %and3A_746 = vector.broadcast %and3A_745 : i32 to vector<16xi32>
        %and3A_747 = arith.andi %shift_left3A_744, %and3A_746 : vector<16xi32>
        %bitcast3A_748 = vector.bitcast %and3A_747 : vector<16xi32> to vector<16xf32>
        %add3A_749 = arith.addf %scan3A_243, %bitcast3A_748 : vector<16xf32>
        scf.yield %add3A_269, %add3A_301, %add3A_333, %add3A_365, %add3A_397, %add3A_429, %add3A_461, %add3A_493, %add3A_525, %add3A_557, %add3A_589, %add3A_621, %add3A_653, %add3A_685, %add3A_717, %add3A_749 : vector<16xf32>, vector<16xf32>, vector<16xf32>, vector<16xf32>, vector<16xf32>, vector<16xf32>, vector<16xf32>, vector<16xf32>, vector<16xf32>, vector<16xf32>, vector<16xf32>, vector<16xf32>, vector<16xf32>, vector<16xf32>, vector<16xf32>, vector<16xf32>
      }
      %scan3A_226 = arith.constant 64 : i32
      scf.yield %scan3A_225#0, %scan3A_225#1, %scan3A_225#2, %scan3A_225#3, %scan3A_225#4, %scan3A_225#5, %scan3A_225#6, %scan3A_225#7, %scan3A_225#8, %scan3A_225#9, %scan3A_225#10, %scan3A_225#11, %scan3A_225#12, %scan3A_225#13, %scan3A_225#14, %scan3A_225#15 : vector<16xf32>, vector<16xf32>, vector<16xf32>, vector<16xf32>, vector<16xf32>, vector<16xf32>, vector<16xf32>, vector<16xf32>, vector<16xf32>, vector<16xf32>, vector<16xf32>, vector<16xf32>, vector<16xf32>, vector<16xf32>, vector<16xf32>, vector<16xf32>
    }
    %scan3A_64 = arith.constant 2 : i32
    %swap3A = arith.constant 0 : index
    %swap3A_65 = tpu.vector_load %arg7[%swap3A] {strides = array<i32>} : memref<256xf32, #tpu.memory_space<vmem>>, vector<16xf32>,
    tpu.vector_store %arg7[%swap3A], %scan3A_63#0 {strides = array<i32>} : memref<256xf32, #tpu.memory_space<vmem>>, vector<16xf32>,
    %swap3A_66 = arith.constant 16 : index
    %swap3A_67 = tpu.vector_load %arg7[%swap3A_66] {strides = array<i32>} : memref<256xf32, #tpu.memory_space<vmem>>, vector<16xf32>,
    tpu.vector_store %arg7[%swap3A_66], %scan3A_63#1 {strides = array<i32>} : memref<256xf32, #tpu.memory_space<vmem>>, vector<16xf32>,
    %swap3A_68 = arith.constant 32 : index
    %swap3A_69 = tpu.vector_load %arg7[%swap3A_68] {strides = array<i32>} : memref<256xf32, #tpu.memory_space<vmem>>, vector<16xf32>,
    tpu.vector_store %arg7[%swap3A_68], %scan3A_63#2 {strides = array<i32>} : memref<256xf32, #tpu.memory_space<vmem>>, vector<16xf32>,
    %swap3A_70 = arith.constant 48 : index
    %swap3A_71 = tpu.vector_load %arg7[%swap3A_70] {strides = array<i32>} : memref<256xf32, #tpu.memory_space<vmem>>, vector<16xf32>,
    tpu.vector_store %arg7[%swap3A_70], %scan3A_63#3 {strides = array<i32>} : memref<256xf32, #tpu.memory_space<vmem>>, vector<16xf32>,
    %swap3A_72 = arith.constant 64 : index
    %swap3A_73 = tpu.vector_load %arg7[%swap3A_72] {strides = array<i32>} : memref<256xf32, #tpu.memory_space<vmem>>, vector<16xf32>,
    tpu.vector_store %arg7[%swap3A_72], %scan3A_63#4 {strides = array<i32>} : memref<256xf32, #tpu.memory_space<vmem>>, vector<16xf32>,
    %swap3A_74 = arith.constant 80 : index
    %swap3A_75 = tpu.vector_load %arg7[%swap3A_74] {strides = array<i32>} : memref<256xf32, #tpu.memory_space<vmem>>, vector<16xf32>,
    tpu.vector_store %arg7[%swap3A_74], %scan3A_63#5 {strides = array<i32>} : memref<256xf32, #tpu.memory_space<vmem>>, vector<16xf32>,
    %swap3A_76 = arith.constant 96 : index
    %swap3A_77 = tpu.vector_load %arg7[%swap3A_76] {strides = array<i32>} : memref<256xf32, #tpu.memory_space<vmem>>, vector<16xf32>,
    tpu.vector_store %arg7[%swap3A_76], %scan3A_63#6 {strides = array<i32>} : memref<256xf32, #tpu.memory_space<vmem>>, vector<16xf32>,
    %swap3A_78 = arith.constant 112 : index
    %swap3A_79 = tpu.vector_load %arg7[%swap3A_78] {strides = array<i32>} : memref<256xf32, #tpu.memory_space<vmem>>, vector<16xf32>,
    tpu.vector_store %arg7[%swap3A_78], %scan3A_63#7 {strides = array<i32>} : memref<256xf32, #tpu.memory_space<vmem>>, vector<16xf32>,
    %swap3A_80 = arith.constant 128 : index
    %swap3A_81 = tpu.vector_load %arg7[%swap3A_80] {strides = array<i32>} : memref<256xf32, #tpu.memory_space<vmem>>, vector<16xf32>,
    tpu.vector_store %arg7[%swap3A_80], %scan3A_63#8 {strides = array<i32>} : memref<256xf32, #tpu.memory_space<vmem>>, vector<16xf32>,
    %swap3A_82 = arith.constant 144 : index
    %swap3A_83 = tpu.vector_load %arg7[%swap3A_82] {strides = array<i32>} : memref<256xf32, #tpu.memory_space<vmem>>, vector<16xf32>,
    tpu.vector_store %arg7[%swap3A_82], %scan3A_63#9 {strides = array<i32>} : memref<256xf32, #tpu.memory_space<vmem>>, vector<16xf32>,
    %swap3A_84 = arith.constant 160 : index
    %swap3A_85 = tpu.vector_load %arg7[%swap3A_84] {strides = array<i32>} : memref<256xf32, #tpu.memory_space<vmem>>, vector<16xf32>,
    tpu.vector_store %arg7[%swap3A_84], %scan3A_63#10 {strides = array<i32>} : memref<256xf32, #tpu.memory_space<vmem>>, vector<16xf32>,
    %swap3A_86 = arith.constant 176 : index
    %swap3A_87 = tpu.vector_load %arg7[%swap3A_86] {strides = array<i32>} : memref<256xf32, #tpu.memory_space<vmem>>, vector<16xf32>,
    tpu.vector_store %arg7[%swap3A_86], %scan3A_63#11 {strides = array<i32>} : memref<256xf32, #tpu.memory_space<vmem>>, vector<16xf32>,
    %swap3A_88 = arith.constant 192 : index
    %swap3A_89 = tpu.vector_load %arg7[%swap3A_88] {strides = array<i32>} : memref<256xf32, #tpu.memory_space<vmem>>, vector<16xf32>,
    tpu.vector_store %arg7[%swap3A_88], %scan3A_63#12 {strides = array<i32>} : memref<256xf32, #tpu.memory_space<vmem>>, vector<16xf32>,
    %swap3A_90 = arith.constant 208 : index
    %swap3A_91 = tpu.vector_load %arg7[%swap3A_90] {strides = array<i32>} : memref<256xf32, #tpu.memory_space<vmem>>, vector<16xf32>,
    tpu.vector_store %arg7[%swap3A_90], %scan3A_63#13 {strides = array<i32>} : memref<256xf32, #tpu.memory_space<vmem>>, vector<16xf32>,
    %swap3A_92 = arith.constant 224 : index
    %swap3A_93 = tpu.vector_load %arg7[%swap3A_92] {strides = array<i32>} : memref<256xf32, #tpu.memory_space<vmem>>, vector<16xf32>,
    tpu.vector_store %arg7[%swap3A_92], %scan3A_63#14 {strides = array<i32>} : memref<256xf32, #tpu.memory_space<vmem>>, vector<16xf32>,
    %swap3A_94 = arith.constant 240 : index
    %swap3A_95 = tpu.vector_load %arg7[%swap3A_94] {strides = array<i32>} : memref<256xf32, #tpu.memory_space<vmem>>, vector<16xf32>,
    tpu.vector_store %arg7[%swap3A_94], %scan3A_63#15 {strides = array<i32>} : memref<256xf32, #tpu.memory_space<vmem>>, vector<16xf32>,
    %mul3A_96 = arith.constant 256 : i32
    %mul3A_97 = arith.muli %add3A, %mul3A_96 : i32
    "tpu.region"() ({
      %run_scoped3A = tpu.sem_alloc : memref<!tpu.dma_semaphore, #tpu.memory_space<semaphore_mem>>
      %dma_start3A_98 = tpu.memref_slice %arg4[%mul3A_97] : memref<8192xf32, #tpu.memory_space<hbm>> -> memref<256xf32, #tpu.memory_space<hbm>>
      %dma_start3A_99 = tpu.memref_slice %arg4[%mul3A_97] : memref<8192xf32, #tpu.memory_space<hbm>> -> memref<256xf32, #tpu.memory_space<hbm>>
      tpu.enqueue_dma source(%arg7 : memref<256xf32, #tpu.memory_space<vmem>>) target(%dma_start3A_99 : memref<256xf32, #tpu.memory_space<hbm>>) target_semaphore(%run_scoped3A : memref<!tpu.dma_semaphore, #tpu.memory_space<semaphore_mem>>)
      %dma_wait3A = tpu.memref_slice %arg4[%mul3A_97] : memref<8192xf32, #tpu.memory_space<hbm>> -> memref<256xf32, #tpu.memory_space<hbm>>
      %dma_wait3A_100 = tpu.memref_slice %arg4[%mul3A_97] : memref<8192xf32, #tpu.memory_space<hbm>> -> memref<256xf32, #tpu.memory_space<hbm>>
      tpu.wait_dma2 semaphore(%run_scoped3A : memref<!tpu.dma_semaphore, #tpu.memory_space<semaphore_mem>>) src(%arg7 : memref<256xf32, #tpu.memory_space<vmem>>) dst(%dma_wait3A_100 : memref<256xf32, #tpu.memory_space<hbm>>)
      tpu.yield
    }) : () -> ()
    return
  }
}

module attributes {stable_mosaic.version = 14 : i64} {
  func.func @_prep_body(%arg0: i32, %arg1: i32, %arg2: memref<1x64x256xf32, #tpu.memory_space<vmem>>, %arg3: memref<1x64x1024xf32, #tpu.memory_space<vmem>>, %arg4: memref<3x1024xf32, #tpu.memory_space<vmem>>, %arg5: memref<3x256xf32, #tpu.memory_space<vmem>>, %arg6: memref<1x256x1024xf32, #tpu.memory_space<vmem>>, %arg7: memref<1x1x256xf32, #tpu.memory_space<vmem>>, %arg8: memref<1x1024x128xi32, #tpu.memory_space<vmem>>, %arg9: memref<1x1x128xf32, #tpu.memory_space<vmem>>) attributes {dimension_semantics = [#tpu.dimension_semantics<arbitrary>, #tpu.dimension_semantics<arbitrary>], iteration_bounds = array<i64: 8, 4>, scalar_prefetch = 0 : i64, scratch_operands = 0 : i64, tpu.core_type = #tpu.core_type<tc>, window_params = [{transform_indices = @transform_0, window_bounds = array<i64: 1, 64, 256>}, {transform_indices = @transform_1, window_bounds = array<i64: 1, 64, 1024>}, {pipeline_mode = #tpu.pipeline_mode<synchronous>, transform_indices = @transform_2, window_bounds = array<i64: 3, 1024>}, {transform_indices = @transform_3, window_bounds = array<i64: 3, 256>}, {transform_indices = @transform_4, window_bounds = array<i64: 1, 256, 1024>}, {transform_indices = @transform_5, window_bounds = array<i64: 1, 1, 256>}, {transform_indices = @transform_6, window_bounds = array<i64: 1, 1024, 128>}, {transform_indices = @transform_7, window_bounds = array<i64: 1, 1, 128>}]} {
    %get3A = arith.constant 0 : index
    %get3A_0 = arith.constant 0 : index
    %get3A_1 = arith.constant 0 : index
    %get3A_2 = vector.load %arg2[%get3A, %get3A_0, %get3A_1] : memref<1x64x256xf32, #tpu.memory_space<vmem>>, vector<1x64x256xf32>
    %get3A_3 = vector.shape_cast %get3A_2 : vector<1x64x256xf32> to vector<64x256xf32>
    %get3A_4 = arith.constant 0 : index
    %get3A_5 = arith.constant 0 : index
    %get3A_6 = arith.constant 0 : index
    %get3A_7 = vector.load %arg3[%get3A_4, %get3A_5, %get3A_6] : memref<1x64x1024xf32, #tpu.memory_space<vmem>>, vector<1x64x1024xf32>
    %get3A_8 = vector.shape_cast %get3A_7 : vector<1x64x1024xf32> to vector<64x1024xf32>
    %get3A_9 = arith.constant 0 : index
    %get3A_10 = arith.constant 0 : index
    %get3A_11 = vector.load %arg4[%get3A_9, %get3A_10] : memref<3x1024xf32, #tpu.memory_space<vmem>>, vector<3x1024xf32>
    %get3A_12 = arith.constant 0 : index
    %get3A_13 = arith.constant 0 : index
    %get3A_14 = vector.load %arg5[%get3A_12, %get3A_13] : memref<3x256xf32, #tpu.memory_space<vmem>>, vector<3x256xf32>
    %get3A_15 = arith.constant 0 : index
    %get3A_16 = arith.constant 0 : index
    %get3A_17 = arith.constant 0 : index
    %get3A_18 = vector.load %arg6[%get3A_15, %get3A_16, %get3A_17] : memref<1x256x1024xf32, #tpu.memory_space<vmem>>, vector<1x256x1024xf32>
    %get3A_19 = vector.shape_cast %get3A_18 : vector<1x256x1024xf32> to vector<256x1024xf32>
    %get3A_20 = arith.constant 0 : index
    %get3A_21 = arith.constant 0 : index
    %get3A_22 = arith.constant 0 : index
    %get3A_23 = vector.load %arg7[%get3A_20, %get3A_21, %get3A_22] : memref<1x1x256xf32, #tpu.memory_space<vmem>>, vector<1x1x256xf32>
    %get3A_24 = vector.shape_cast %get3A_23 : vector<1x1x256xf32> to vector<1x256xf32>
    %mul3A = arith.mulf %get3A_3, %get3A_3 : vector<64x256xf32>
    %reduce_sum3A = arith.constant dense<0.000000e+00> : vector<256xf32>
    %reduce_sum3A_25 = vector.multi_reduction <add>, %mul3A, %reduce_sum3A [0] : vector<64x256xf32> to vector<256xf32>
    %broadcast_in_dim3A = vector.shape_cast %reduce_sum3A_25 : vector<256xf32> to vector<1x256xf32>
    %mul3A_26 = arith.mulf %get3A_8, %get3A_8 : vector<64x1024xf32>
    %reduce_sum3A_27 = arith.constant dense<0.000000e+00> : vector<1024xf32>
    %reduce_sum3A_28 = vector.multi_reduction <add>, %mul3A_26, %reduce_sum3A_27 [0] : vector<64x1024xf32> to vector<1024xf32>
    %broadcast_in_dim3A_29 = vector.shape_cast %reduce_sum3A_28 : vector<1024xf32> to vector<1x1024xf32>
    %dot_general3A = arith.constant dense<0.000000e+00> : vector<256x1024xf32>
    %dot_general3A_30 = tpu.matmul %get3A_3, %get3A_8, %dot_general3A {dimension_numbers = #tpu.dot_dimension_numbers<[0], [0], [1], [1], [0, 1, 1, 1], [], []>, transpose_lhs_hint = false} : vector<64x256xf32>, vector<64x1024xf32>, vector<256x1024xf32> -> vector<256x1024xf32>
    %mul3A_31 = arith.mulf %get3A_11, %get3A_11 : vector<3x1024xf32>
    %reduce_sum3A_32 = arith.constant dense<0.000000e+00> : vector<1024xf32>
    %reduce_sum3A_33 = vector.multi_reduction <add>, %mul3A_31, %reduce_sum3A_32 [0] : vector<3x1024xf32> to vector<1024xf32>
    %broadcast_in_dim3A_34 = vector.shape_cast %reduce_sum3A_33 : vector<1024xf32> to vector<1x1024xf32>
    %concatenate3A = tpu.concatenate %broadcast_in_dim3A_34, %get3A_11 in 0 : vector<1x1024xf32>, vector<3x1024xf32> -> vector<4x1024xf32>
    %dot_general3A_35 = arith.constant dense<0.000000e+00> : vector<4x256xf32>
    %dot_general3A_36 = tpu.matmul %concatenate3A, %get3A_19, %dot_general3A_35 {dimension_numbers = #tpu.dot_dimension_numbers<[1], [1], [0], [0], [0, 0, 1, 0], [], []>, transpose_lhs_hint = false} : vector<4x1024xf32>, vector<256x1024xf32>, vector<4x256xf32> -> vector<4x256xf32>
    %mul3A_37 = arith.mulf %get3A_14, %get3A_14 : vector<3x256xf32>
    %reduce_sum3A_38 = arith.constant dense<0.000000e+00> : vector<256xf32>
    %reduce_sum3A_39 = vector.multi_reduction <add>, %mul3A_37, %reduce_sum3A_38 [0] : vector<3x256xf32> to vector<256xf32>
    %broadcast_in_dim3A_40 = vector.shape_cast %reduce_sum3A_39 : vector<256xf32> to vector<1x256xf32>
    %mul3A_41 = arith.constant 2.560000e+02 : f32
    %mul3A_42 = vector.broadcast %mul3A_41 : f32 to vector<1x256xf32>
    %mul3A_43 = arith.mulf %mul3A_42, %broadcast_in_dim3A_40 : vector<1x256xf32>
    %slice3A = vector.extract_strided_slice %dot_general3A_36 {offsets = [0, 0], sizes = [1, 256], strides = [1, 1]} : vector<4x256xf32> to vector<1x256xf32>
    %add3A = arith.addf %mul3A_43, %slice3A : vector<1x256xf32>
    %slice3A_44 = vector.extract_strided_slice %dot_general3A_36 {offsets = [1, 0], sizes = [3, 256], strides = [1, 1]} : vector<4x256xf32> to vector<3x256xf32>
    %mul3A_45 = arith.mulf %get3A_14, %slice3A_44 : vector<3x256xf32>
    %reduce_sum3A_46 = arith.constant dense<0.000000e+00> : vector<256xf32>
    %reduce_sum3A_47 = vector.multi_reduction <add>, %mul3A_45, %reduce_sum3A_46 [0] : vector<3x256xf32> to vector<256xf32>
    %broadcast_in_dim3A_48 = vector.shape_cast %reduce_sum3A_47 : vector<256xf32> to vector<1x256xf32>
    %mul3A_49 = arith.constant 2.000000e+00 : f32
    %mul3A_50 = vector.broadcast %mul3A_49 : f32 to vector<1x256xf32>
    %mul3A_51 = arith.mulf %mul3A_50, %broadcast_in_dim3A_48 : vector<1x256xf32>
    %sub3A = arith.subf %add3A, %mul3A_51 : vector<1x256xf32>
    %max3A = arith.constant 0.000000e+00 : f32
    %max3A_52 = vector.broadcast %max3A : f32 to vector<1x256xf32>
    %max3A_53 = arith.maximumf %sub3A, %max3A_52 : vector<1x256xf32>
    %sqrt3A = math.sqrt %max3A_53 : vector<1x256xf32>
    %mul3A_54 = arith.constant 0.115470052 : f32
    %mul3A_55 = vector.broadcast %mul3A_54 : f32 to vector<1x256xf32>
    %mul3A_56 = arith.mulf %sqrt3A, %mul3A_55 : vector<1x256xf32>
    %add3A_57 = arith.addf %get3A_24, %mul3A_56 : vector<1x256xf32>
    %sqrt3A_58 = math.sqrt %broadcast_in_dim3A : vector<1x256xf32>
    %transpose3A = tpu.transpose %sqrt3A_58, [1, 0] : vector<1x256xf32> -> vector<256x1xf32>
    %transpose3A_59 = tpu.transpose %add3A_57, [1, 0] : vector<1x256xf32> -> vector<256x1xf32>
    %sqrt3A_60 = math.sqrt %broadcast_in_dim3A_29 : vector<1x1024xf32>
    %mul3A_61 = vector.broadcast %transpose3A : vector<256x1xf32> to vector<256x1024xf32>
    %mul3A_62 = vector.broadcast %sqrt3A_60 : vector<1x1024xf32> to vector<256x1024xf32>
    %mul3A_63 = arith.mulf %mul3A_61, %mul3A_62 : vector<256x1024xf32>
    %max3A_64 = arith.constant 9.99999993E-9 : f32
    %max3A_65 = vector.broadcast %max3A_64 : f32 to vector<256x1024xf32>
    %max3A_66 = arith.maximumf %mul3A_63, %max3A_65 : vector<256x1024xf32>
    %abs3A = math.absf %dot_general3A_30 : vector<256x1024xf32>
    %mul3A_67 = vector.broadcast %transpose3A_59 : vector<256x1xf32> to vector<256x1024xf32>
    %mul3A_68 = arith.mulf %abs3A, %mul3A_67 : vector<256x1024xf32>
    %div3A = arith.divf %mul3A_68, %max3A_66 : vector<256x1024xf32>
    %min3A = arith.constant 1.000000e+00 : f32
    %min3A_69 = vector.broadcast %min3A : f32 to vector<256x1024xf32>
    %min3A_70 = arith.minimumf %div3A, %min3A_69 : vector<256x1024xf32>
    %slice3A_71 = vector.extract_strided_slice %min3A_70 {offsets = [0, 0], sizes = [256, 128], strides = [1, 1]} : vector<256x1024xf32> to vector<256x128xf32>
    %bitcast_convert_type3A = tpu.bitcast %slice3A_71 : vector<256x128xf32> -> vector<256x128xi32>
    %add3A_72 = arith.constant 32767 : i32
    %add3A_73 = vector.broadcast %add3A_72 : i32 to vector<256x128xi32>
    %add3A_74 = arith.addi %bitcast_convert_type3A, %add3A_73 : vector<256x128xi32>
    %shift_right_logical3A = arith.constant 16 : i32
    %shift_right_logical3A_75 = vector.broadcast %shift_right_logical3A : i32 to vector<256x128xi32>
    %shift_right_logical3A_76 = arith.shrui %bitcast_convert_type3A, %shift_right_logical3A_75 : vector<256x128xi32>
    %and3A = arith.constant 1 : i32
    %and3A_77 = vector.broadcast %and3A : i32 to vector<256x128xi32>
    %and3A_78 = arith.andi %shift_right_logical3A_76, %and3A_77 : vector<256x128xi32>
    %add3A_79 = arith.addi %add3A_74, %and3A_78 : vector<256x128xi32>
    %shift_right_logical3A_80 = arith.constant 16 : i32
    %shift_right_logical3A_81 = vector.broadcast %shift_right_logical3A_80 : i32 to vector<256x128xi32>
    %shift_right_logical3A_82 = arith.shrui %add3A_79, %shift_right_logical3A_81 : vector<256x128xi32>
    %slice3A_83 = vector.extract_strided_slice %min3A_70 {offsets = [0, 512], sizes = [256, 128], strides = [1, 1]} : vector<256x1024xf32> to vector<256x128xf32>
    %bitcast_convert_type3A_84 = tpu.bitcast %slice3A_83 : vector<256x128xf32> -> vector<256x128xi32>
    %add3A_85 = arith.constant 32767 : i32
    %add3A_86 = vector.broadcast %add3A_85 : i32 to vector<256x128xi32>
    %add3A_87 = arith.addi %bitcast_convert_type3A_84, %add3A_86 : vector<256x128xi32>
    %shift_right_logical3A_88 = arith.constant 16 : i32
    %shift_right_logical3A_89 = vector.broadcast %shift_right_logical3A_88 : i32 to vector<256x128xi32>
    %shift_right_logical3A_90 = arith.shrui %bitcast_convert_type3A_84, %shift_right_logical3A_89 : vector<256x128xi32>
    %and3A_91 = arith.constant 1 : i32
    %and3A_92 = vector.broadcast %and3A_91 : i32 to vector<256x128xi32>
    %and3A_93 = arith.andi %shift_right_logical3A_90, %and3A_92 : vector<256x128xi32>
    %add3A_94 = arith.addi %add3A_87, %and3A_93 : vector<256x128xi32>
    %shift_right_logical3A_95 = arith.constant 16 : i32
    %shift_right_logical3A_96 = vector.broadcast %shift_right_logical3A_95 : i32 to vector<256x128xi32>
    %shift_right_logical3A_97 = arith.shrui %add3A_94, %shift_right_logical3A_96 : vector<256x128xi32>
    %shift_left3A = arith.constant 16 : i32
    %shift_left3A_98 = vector.broadcast %shift_left3A : i32 to vector<256x128xi32>
    %shift_left3A_99 = arith.shli %shift_right_logical3A_97, %shift_left3A_98 : vector<256x128xi32>
    %or3A = arith.ori %shift_right_logical3A_82, %shift_left3A_99 : vector<256x128xi32>
    %slice3A_100 = vector.extract_strided_slice %or3A {offsets = [0, 0], sizes = [64, 128], strides = [1, 1]} : vector<256x128xi32> to vector<64x128xi32>
    %swap3A = arith.constant 0 : index
    %swap3A_101 = arith.constant 0 : index
    %swap3A_102 = arith.constant 0 : index
    %swap3A_103 = vector.load %arg8[%swap3A, %swap3A_101, %swap3A_102] : memref<1x1024x128xi32, #tpu.memory_space<vmem>>, vector<1x64x128xi32>
    %swap3A_104 = vector.shape_cast %swap3A_103 : vector<1x64x128xi32> to vector<64x128xi32>
    %swap3A_105 = vector.shape_cast %slice3A_100 : vector<64x128xi32> to vector<1x64x128xi32>
    tpu.vector_store %arg8[%swap3A, %swap3A_101, %swap3A_102], %swap3A_105 {strides = array<i32>} : memref<1x1024x128xi32, #tpu.memory_space<vmem>>, vector<1x64x128xi32>,
    %slice3A_106 = vector.extract_strided_slice %or3A {offsets = [64, 0], sizes = [64, 128], strides = [1, 1]} : vector<256x128xi32> to vector<64x128xi32>
    %swap3A_107 = arith.constant 0 : index
    %swap3A_108 = arith.constant 256 : index
    %swap3A_109 = arith.constant 0 : index
    %swap3A_110 = vector.load %arg8[%swap3A_107, %swap3A_108, %swap3A_109] : memref<1x1024x128xi32, #tpu.memory_space<vmem>>, vector<1x64x128xi32>
    %swap3A_111 = vector.shape_cast %swap3A_110 : vector<1x64x128xi32> to vector<64x128xi32>
    %swap3A_112 = vector.shape_cast %slice3A_106 : vector<64x128xi32> to vector<1x64x128xi32>
    tpu.vector_store %arg8[%swap3A_107, %swap3A_108, %swap3A_109], %swap3A_112 {strides = array<i32>} : memref<1x1024x128xi32, #tpu.memory_space<vmem>>, vector<1x64x128xi32>,
    %slice3A_113 = vector.extract_strided_slice %or3A {offsets = [128, 0], sizes = [64, 128], strides = [1, 1]} : vector<256x128xi32> to vector<64x128xi32>
    %swap3A_114 = arith.constant 0 : index
    %swap3A_115 = arith.constant 512 : index
    %swap3A_116 = arith.constant 0 : index
    %swap3A_117 = vector.load %arg8[%swap3A_114, %swap3A_115, %swap3A_116] : memref<1x1024x128xi32, #tpu.memory_space<vmem>>, vector<1x64x128xi32>
    %swap3A_118 = vector.shape_cast %swap3A_117 : vector<1x64x128xi32> to vector<64x128xi32>
    %swap3A_119 = vector.shape_cast %slice3A_113 : vector<64x128xi32> to vector<1x64x128xi32>
    tpu.vector_store %arg8[%swap3A_114, %swap3A_115, %swap3A_116], %swap3A_119 {strides = array<i32>} : memref<1x1024x128xi32, #tpu.memory_space<vmem>>, vector<1x64x128xi32>,
    %slice3A_120 = vector.extract_strided_slice %or3A {offsets = [192, 0], sizes = [64, 128], strides = [1, 1]} : vector<256x128xi32> to vector<64x128xi32>
    %swap3A_121 = arith.constant 0 : index
    %swap3A_122 = arith.constant 768 : index
    %swap3A_123 = arith.constant 0 : index
    %swap3A_124 = vector.load %arg8[%swap3A_121, %swap3A_122, %swap3A_123] : memref<1x1024x128xi32, #tpu.memory_space<vmem>>, vector<1x64x128xi32>
    %swap3A_125 = vector.shape_cast %swap3A_124 : vector<1x64x128xi32> to vector<64x128xi32>
    %swap3A_126 = vector.shape_cast %slice3A_120 : vector<64x128xi32> to vector<1x64x128xi32>
    tpu.vector_store %arg8[%swap3A_121, %swap3A_122, %swap3A_123], %swap3A_126 {strides = array<i32>} : memref<1x1024x128xi32, #tpu.memory_space<vmem>>, vector<1x64x128xi32>,
    %slice3A_127 = vector.extract_strided_slice %min3A_70 {offsets = [0, 128], sizes = [256, 128], strides = [1, 1]} : vector<256x1024xf32> to vector<256x128xf32>
    %bitcast_convert_type3A_128 = tpu.bitcast %slice3A_127 : vector<256x128xf32> -> vector<256x128xi32>
    %add3A_129 = arith.constant 32767 : i32
    %add3A_130 = vector.broadcast %add3A_129 : i32 to vector<256x128xi32>
    %add3A_131 = arith.addi %bitcast_convert_type3A_128, %add3A_130 : vector<256x128xi32>
    %shift_right_logical3A_132 = arith.constant 16 : i32
    %shift_right_logical3A_133 = vector.broadcast %shift_right_logical3A_132 : i32 to vector<256x128xi32>
    %shift_right_logical3A_134 = arith.shrui %bitcast_convert_type3A_128, %shift_right_logical3A_133 : vector<256x128xi32>
    %and3A_135 = arith.constant 1 : i32
    %and3A_136 = vector.broadcast %and3A_135 : i32 to vector<256x128xi32>
    %and3A_137 = arith.andi %shift_right_logical3A_134, %and3A_136 : vector<256x128xi32>
    %add3A_138 = arith.addi %add3A_131, %and3A_137 : vector<256x128xi32>
    %shift_right_logical3A_139 = arith.constant 16 : i32
    %shift_right_logical3A_140 = vector.broadcast %shift_right_logical3A_139 : i32 to vector<256x128xi32>
    %shift_right_logical3A_141 = arith.shrui %add3A_138, %shift_right_logical3A_140 : vector<256x128xi32>
    %slice3A_142 = vector.extract_strided_slice %min3A_70 {offsets = [0, 640], sizes = [256, 128], strides = [1, 1]} : vector<256x1024xf32> to vector<256x128xf32>
    %bitcast_convert_type3A_143 = tpu.bitcast %slice3A_142 : vector<256x128xf32> -> vector<256x128xi32>
    %add3A_144 = arith.constant 32767 : i32
    %add3A_145 = vector.broadcast %add3A_144 : i32 to vector<256x128xi32>
    %add3A_146 = arith.addi %bitcast_convert_type3A_143, %add3A_145 : vector<256x128xi32>
    %shift_right_logical3A_147 = arith.constant 16 : i32
    %shift_right_logical3A_148 = vector.broadcast %shift_right_logical3A_147 : i32 to vector<256x128xi32>
    %shift_right_logical3A_149 = arith.shrui %bitcast_convert_type3A_143, %shift_right_logical3A_148 : vector<256x128xi32>
    %and3A_150 = arith.constant 1 : i32
    %and3A_151 = vector.broadcast %and3A_150 : i32 to vector<256x128xi32>
    %and3A_152 = arith.andi %shift_right_logical3A_149, %and3A_151 : vector<256x128xi32>
    %add3A_153 = arith.addi %add3A_146, %and3A_152 : vector<256x128xi32>
    %shift_right_logical3A_154 = arith.constant 16 : i32
    %shift_right_logical3A_155 = vector.broadcast %shift_right_logical3A_154 : i32 to vector<256x128xi32>
    %shift_right_logical3A_156 = arith.shrui %add3A_153, %shift_right_logical3A_155 : vector<256x128xi32>
    %shift_left3A_157 = arith.constant 16 : i32
    %shift_left3A_158 = vector.broadcast %shift_left3A_157 : i32 to vector<256x128xi32>
    %shift_left3A_159 = arith.shli %shift_right_logical3A_156, %shift_left3A_158 : vector<256x128xi32>
    %or3A_160 = arith.ori %shift_right_logical3A_141, %shift_left3A_159 : vector<256x128xi32>
    %slice3A_161 = vector.extract_strided_slice %or3A_160 {offsets = [0, 0], sizes = [64, 128], strides = [1, 1]} : vector<256x128xi32> to vector<64x128xi32>
    %swap3A_162 = arith.constant 0 : index
    %swap3A_163 = arith.constant 64 : index
    %swap3A_164 = arith.constant 0 : index
    %swap3A_165 = vector.load %arg8[%swap3A_162, %swap3A_163, %swap3A_164] : memref<1x1024x128xi32, #tpu.memory_space<vmem>>, vector<1x64x128xi32>
    %swap3A_166 = vector.shape_cast %swap3A_165 : vector<1x64x128xi32> to vector<64x128xi32>
    %swap3A_167 = vector.shape_cast %slice3A_161 : vector<64x128xi32> to vector<1x64x128xi32>
    tpu.vector_store %arg8[%swap3A_162, %swap3A_163, %swap3A_164], %swap3A_167 {strides = array<i32>} : memref<1x1024x128xi32, #tpu.memory_space<vmem>>, vector<1x64x128xi32>,
    %slice3A_168 = vector.extract_strided_slice %or3A_160 {offsets = [64, 0], sizes = [64, 128], strides = [1, 1]} : vector<256x128xi32> to vector<64x128xi32>
    %swap3A_169 = arith.constant 0 : index
    %swap3A_170 = arith.constant 320 : index
    %swap3A_171 = arith.constant 0 : index
    %swap3A_172 = vector.load %arg8[%swap3A_169, %swap3A_170, %swap3A_171] : memref<1x1024x128xi32, #tpu.memory_space<vmem>>, vector<1x64x128xi32>
    %swap3A_173 = vector.shape_cast %swap3A_172 : vector<1x64x128xi32> to vector<64x128xi32>
    %swap3A_174 = vector.shape_cast %slice3A_168 : vector<64x128xi32> to vector<1x64x128xi32>
    tpu.vector_store %arg8[%swap3A_169, %swap3A_170, %swap3A_171], %swap3A_174 {strides = array<i32>} : memref<1x1024x128xi32, #tpu.memory_space<vmem>>, vector<1x64x128xi32>,
    %slice3A_175 = vector.extract_strided_slice %or3A_160 {offsets = [128, 0], sizes = [64, 128], strides = [1, 1]} : vector<256x128xi32> to vector<64x128xi32>
    %swap3A_176 = arith.constant 0 : index
    %swap3A_177 = arith.constant 576 : index
    %swap3A_178 = arith.constant 0 : index
    %swap3A_179 = vector.load %arg8[%swap3A_176, %swap3A_177, %swap3A_178] : memref<1x1024x128xi32, #tpu.memory_space<vmem>>, vector<1x64x128xi32>
    %swap3A_180 = vector.shape_cast %swap3A_179 : vector<1x64x128xi32> to vector<64x128xi32>
    %swap3A_181 = vector.shape_cast %slice3A_175 : vector<64x128xi32> to vector<1x64x128xi32>
    tpu.vector_store %arg8[%swap3A_176, %swap3A_177, %swap3A_178], %swap3A_181 {strides = array<i32>} : memref<1x1024x128xi32, #tpu.memory_space<vmem>>, vector<1x64x128xi32>,
    %slice3A_182 = vector.extract_strided_slice %or3A_160 {offsets = [192, 0], sizes = [64, 128], strides = [1, 1]} : vector<256x128xi32> to vector<64x128xi32>
    %swap3A_183 = arith.constant 0 : index
    %swap3A_184 = arith.constant 832 : index
    %swap3A_185 = arith.constant 0 : index
    %swap3A_186 = vector.load %arg8[%swap3A_183, %swap3A_184, %swap3A_185] : memref<1x1024x128xi32, #tpu.memory_space<vmem>>, vector<1x64x128xi32>
    %swap3A_187 = vector.shape_cast %swap3A_186 : vector<1x64x128xi32> to vector<64x128xi32>
    %swap3A_188 = vector.shape_cast %slice3A_182 : vector<64x128xi32> to vector<1x64x128xi32>
    tpu.vector_store %arg8[%swap3A_183, %swap3A_184, %swap3A_185], %swap3A_188 {strides = array<i32>} : memref<1x1024x128xi32, #tpu.memory_space<vmem>>, vector<1x64x128xi32>,
    %slice3A_189 = vector.extract_strided_slice %min3A_70 {offsets = [0, 256], sizes = [256, 128], strides = [1, 1]} : vector<256x1024xf32> to vector<256x128xf32>
    %bitcast_convert_type3A_190 = tpu.bitcast %slice3A_189 : vector<256x128xf32> -> vector<256x128xi32>
    %add3A_191 = arith.constant 32767 : i32
    %add3A_192 = vector.broadcast %add3A_191 : i32 to vector<256x128xi32>
    %add3A_193 = arith.addi %bitcast_convert_type3A_190, %add3A_192 : vector<256x128xi32>
    %shift_right_logical3A_194 = arith.constant 16 : i32
    %shift_right_logical3A_195 = vector.broadcast %shift_right_logical3A_194 : i32 to vector<256x128xi32>
    %shift_right_logical3A_196 = arith.shrui %bitcast_convert_type3A_190, %shift_right_logical3A_195 : vector<256x128xi32>
    %and3A_197 = arith.constant 1 : i32
    %and3A_198 = vector.broadcast %and3A_197 : i32 to vector<256x128xi32>
    %and3A_199 = arith.andi %shift_right_logical3A_196, %and3A_198 : vector<256x128xi32>
    %add3A_200 = arith.addi %add3A_193, %and3A_199 : vector<256x128xi32>
    %shift_right_logical3A_201 = arith.constant 16 : i32
    %shift_right_logical3A_202 = vector.broadcast %shift_right_logical3A_201 : i32 to vector<256x128xi32>
    %shift_right_logical3A_203 = arith.shrui %add3A_200, %shift_right_logical3A_202 : vector<256x128xi32>
    %slice3A_204 = vector.extract_strided_slice %min3A_70 {offsets = [0, 768], sizes = [256, 128], strides = [1, 1]} : vector<256x1024xf32> to vector<256x128xf32>
    %bitcast_convert_type3A_205 = tpu.bitcast %slice3A_204 : vector<256x128xf32> -> vector<256x128xi32>
    %add3A_206 = arith.constant 32767 : i32
    %add3A_207 = vector.broadcast %add3A_206 : i32 to vector<256x128xi32>
    %add3A_208 = arith.addi %bitcast_convert_type3A_205, %add3A_207 : vector<256x128xi32>
    %shift_right_logical3A_209 = arith.constant 16 : i32
    %shift_right_logical3A_210 = vector.broadcast %shift_right_logical3A_209 : i32 to vector<256x128xi32>
    %shift_right_logical3A_211 = arith.shrui %bitcast_convert_type3A_205, %shift_right_logical3A_210 : vector<256x128xi32>
    %and3A_212 = arith.constant 1 : i32
    %and3A_213 = vector.broadcast %and3A_212 : i32 to vector<256x128xi32>
    %and3A_214 = arith.andi %shift_right_logical3A_211, %and3A_213 : vector<256x128xi32>
    %add3A_215 = arith.addi %add3A_208, %and3A_214 : vector<256x128xi32>
    %shift_right_logical3A_216 = arith.constant 16 : i32
    %shift_right_logical3A_217 = vector.broadcast %shift_right_logical3A_216 : i32 to vector<256x128xi32>
    %shift_right_logical3A_218 = arith.shrui %add3A_215, %shift_right_logical3A_217 : vector<256x128xi32>
    %shift_left3A_219 = arith.constant 16 : i32
    %shift_left3A_220 = vector.broadcast %shift_left3A_219 : i32 to vector<256x128xi32>
    %shift_left3A_221 = arith.shli %shift_right_logical3A_218, %shift_left3A_220 : vector<256x128xi32>
    %or3A_222 = arith.ori %shift_right_logical3A_203, %shift_left3A_221 : vector<256x128xi32>
    %slice3A_223 = vector.extract_strided_slice %or3A_222 {offsets = [0, 0], sizes = [64, 128], strides = [1, 1]} : vector<256x128xi32> to vector<64x128xi32>
    %swap3A_224 = arith.constant 0 : index
    %swap3A_225 = arith.constant 128 : index
    %swap3A_226 = arith.constant 0 : index
    %swap3A_227 = vector.load %arg8[%swap3A_224, %swap3A_225, %swap3A_226] : memref<1x1024x128xi32, #tpu.memory_space<vmem>>, vector<1x64x128xi32>
    %swap3A_228 = vector.shape_cast %swap3A_227 : vector<1x64x128xi32> to vector<64x128xi32>
    %swap3A_229 = vector.shape_cast %slice3A_223 : vector<64x128xi32> to vector<1x64x128xi32>
    tpu.vector_store %arg8[%swap3A_224, %swap3A_225, %swap3A_226], %swap3A_229 {strides = array<i32>} : memref<1x1024x128xi32, #tpu.memory_space<vmem>>, vector<1x64x128xi32>,
    %slice3A_230 = vector.extract_strided_slice %or3A_222 {offsets = [64, 0], sizes = [64, 128], strides = [1, 1]} : vector<256x128xi32> to vector<64x128xi32>
    %swap3A_231 = arith.constant 0 : index
    %swap3A_232 = arith.constant 384 : index
    %swap3A_233 = arith.constant 0 : index
    %swap3A_234 = vector.load %arg8[%swap3A_231, %swap3A_232, %swap3A_233] : memref<1x1024x128xi32, #tpu.memory_space<vmem>>, vector<1x64x128xi32>
    %swap3A_235 = vector.shape_cast %swap3A_234 : vector<1x64x128xi32> to vector<64x128xi32>
    %swap3A_236 = vector.shape_cast %slice3A_230 : vector<64x128xi32> to vector<1x64x128xi32>
    tpu.vector_store %arg8[%swap3A_231, %swap3A_232, %swap3A_233], %swap3A_236 {strides = array<i32>} : memref<1x1024x128xi32, #tpu.memory_space<vmem>>, vector<1x64x128xi32>,
    %slice3A_237 = vector.extract_strided_slice %or3A_222 {offsets = [128, 0], sizes = [64, 128], strides = [1, 1]} : vector<256x128xi32> to vector<64x128xi32>
    %swap3A_238 = arith.constant 0 : index
    %swap3A_239 = arith.constant 640 : index
    %swap3A_240 = arith.constant 0 : index
    %swap3A_241 = vector.load %arg8[%swap3A_238, %swap3A_239, %swap3A_240] : memref<1x1024x128xi32, #tpu.memory_space<vmem>>, vector<1x64x128xi32>
    %swap3A_242 = vector.shape_cast %swap3A_241 : vector<1x64x128xi32> to vector<64x128xi32>
    %swap3A_243 = vector.shape_cast %slice3A_237 : vector<64x128xi32> to vector<1x64x128xi32>
    tpu.vector_store %arg8[%swap3A_238, %swap3A_239, %swap3A_240], %swap3A_243 {strides = array<i32>} : memref<1x1024x128xi32, #tpu.memory_space<vmem>>, vector<1x64x128xi32>,
    %slice3A_244 = vector.extract_strided_slice %or3A_222 {offsets = [192, 0], sizes = [64, 128], strides = [1, 1]} : vector<256x128xi32> to vector<64x128xi32>
    %swap3A_245 = arith.constant 0 : index
    %swap3A_246 = arith.constant 896 : index
    %swap3A_247 = arith.constant 0 : index
    %swap3A_248 = vector.load %arg8[%swap3A_245, %swap3A_246, %swap3A_247] : memref<1x1024x128xi32, #tpu.memory_space<vmem>>, vector<1x64x128xi32>
    %swap3A_249 = vector.shape_cast %swap3A_248 : vector<1x64x128xi32> to vector<64x128xi32>
    %swap3A_250 = vector.shape_cast %slice3A_244 : vector<64x128xi32> to vector<1x64x128xi32>
    tpu.vector_store %arg8[%swap3A_245, %swap3A_246, %swap3A_247], %swap3A_250 {strides = array<i32>} : memref<1x1024x128xi32, #tpu.memory_space<vmem>>, vector<1x64x128xi32>,
    %slice3A_251 = vector.extract_strided_slice %min3A_70 {offsets = [0, 384], sizes = [256, 128], strides = [1, 1]} : vector<256x1024xf32> to vector<256x128xf32>
    %bitcast_convert_type3A_252 = tpu.bitcast %slice3A_251 : vector<256x128xf32> -> vector<256x128xi32>
    %add3A_253 = arith.constant 32767 : i32
    %add3A_254 = vector.broadcast %add3A_253 : i32 to vector<256x128xi32>
    %add3A_255 = arith.addi %bitcast_convert_type3A_252, %add3A_254 : vector<256x128xi32>
    %shift_right_logical3A_256 = arith.constant 16 : i32
    %shift_right_logical3A_257 = vector.broadcast %shift_right_logical3A_256 : i32 to vector<256x128xi32>
    %shift_right_logical3A_258 = arith.shrui %bitcast_convert_type3A_252, %shift_right_logical3A_257 : vector<256x128xi32>
    %and3A_259 = arith.constant 1 : i32
    %and3A_260 = vector.broadcast %and3A_259 : i32 to vector<256x128xi32>
    %and3A_261 = arith.andi %shift_right_logical3A_258, %and3A_260 : vector<256x128xi32>
    %add3A_262 = arith.addi %add3A_255, %and3A_261 : vector<256x128xi32>
    %shift_right_logical3A_263 = arith.constant 16 : i32
    %shift_right_logical3A_264 = vector.broadcast %shift_right_logical3A_263 : i32 to vector<256x128xi32>
    %shift_right_logical3A_265 = arith.shrui %add3A_262, %shift_right_logical3A_264 : vector<256x128xi32>
    %slice3A_266 = vector.extract_strided_slice %min3A_70 {offsets = [0, 896], sizes = [256, 128], strides = [1, 1]} : vector<256x1024xf32> to vector<256x128xf32>
    %bitcast_convert_type3A_267 = tpu.bitcast %slice3A_266 : vector<256x128xf32> -> vector<256x128xi32>
    %add3A_268 = arith.constant 32767 : i32
    %add3A_269 = vector.broadcast %add3A_268 : i32 to vector<256x128xi32>
    %add3A_270 = arith.addi %bitcast_convert_type3A_267, %add3A_269 : vector<256x128xi32>
    %shift_right_logical3A_271 = arith.constant 16 : i32
    %shift_right_logical3A_272 = vector.broadcast %shift_right_logical3A_271 : i32 to vector<256x128xi32>
    %shift_right_logical3A_273 = arith.shrui %bitcast_convert_type3A_267, %shift_right_logical3A_272 : vector<256x128xi32>
    %and3A_274 = arith.constant 1 : i32
    %and3A_275 = vector.broadcast %and3A_274 : i32 to vector<256x128xi32>
    %and3A_276 = arith.andi %shift_right_logical3A_273, %and3A_275 : vector<256x128xi32>
    %add3A_277 = arith.addi %add3A_270, %and3A_276 : vector<256x128xi32>
    %shift_right_logical3A_278 = arith.constant 16 : i32
    %shift_right_logical3A_279 = vector.broadcast %shift_right_logical3A_278 : i32 to vector<256x128xi32>
    %shift_right_logical3A_280 = arith.shrui %add3A_277, %shift_right_logical3A_279 : vector<256x128xi32>
    %shift_left3A_281 = arith.constant 16 : i32
    %shift_left3A_282 = vector.broadcast %shift_left3A_281 : i32 to vector<256x128xi32>
    %shift_left3A_283 = arith.shli %shift_right_logical3A_280, %shift_left3A_282 : vector<256x128xi32>
    %or3A_284 = arith.ori %shift_right_logical3A_265, %shift_left3A_283 : vector<256x128xi32>
    %slice3A_285 = vector.extract_strided_slice %or3A_284 {offsets = [0, 0], sizes = [64, 128], strides = [1, 1]} : vector<256x128xi32> to vector<64x128xi32>
    %swap3A_286 = arith.constant 0 : index
    %swap3A_287 = arith.constant 192 : index
    %swap3A_288 = arith.constant 0 : index
    %swap3A_289 = vector.load %arg8[%swap3A_286, %swap3A_287, %swap3A_288] : memref<1x1024x128xi32, #tpu.memory_space<vmem>>, vector<1x64x128xi32>
    %swap3A_290 = vector.shape_cast %swap3A_289 : vector<1x64x128xi32> to vector<64x128xi32>
    %swap3A_291 = vector.shape_cast %slice3A_285 : vector<64x128xi32> to vector<1x64x128xi32>
    tpu.vector_store %arg8[%swap3A_286, %swap3A_287, %swap3A_288], %swap3A_291 {strides = array<i32>} : memref<1x1024x128xi32, #tpu.memory_space<vmem>>, vector<1x64x128xi32>,
    %slice3A_292 = vector.extract_strided_slice %or3A_284 {offsets = [64, 0], sizes = [64, 128], strides = [1, 1]} : vector<256x128xi32> to vector<64x128xi32>
    %swap3A_293 = arith.constant 0 : index
    %swap3A_294 = arith.constant 448 : index
    %swap3A_295 = arith.constant 0 : index
    %swap3A_296 = vector.load %arg8[%swap3A_293, %swap3A_294, %swap3A_295] : memref<1x1024x128xi32, #tpu.memory_space<vmem>>, vector<1x64x128xi32>
    %swap3A_297 = vector.shape_cast %swap3A_296 : vector<1x64x128xi32> to vector<64x128xi32>
    %swap3A_298 = vector.shape_cast %slice3A_292 : vector<64x128xi32> to vector<1x64x128xi32>
    tpu.vector_store %arg8[%swap3A_293, %swap3A_294, %swap3A_295], %swap3A_298 {strides = array<i32>} : memref<1x1024x128xi32, #tpu.memory_space<vmem>>, vector<1x64x128xi32>,
    %slice3A_299 = vector.extract_strided_slice %or3A_284 {offsets = [128, 0], sizes = [64, 128], strides = [1, 1]} : vector<256x128xi32> to vector<64x128xi32>
    %swap3A_300 = arith.constant 0 : index
    %swap3A_301 = arith.constant 704 : index
    %swap3A_302 = arith.constant 0 : index
    %swap3A_303 = vector.load %arg8[%swap3A_300, %swap3A_301, %swap3A_302] : memref<1x1024x128xi32, #tpu.memory_space<vmem>>, vector<1x64x128xi32>
    %swap3A_304 = vector.shape_cast %swap3A_303 : vector<1x64x128xi32> to vector<64x128xi32>
    %swap3A_305 = vector.shape_cast %slice3A_299 : vector<64x128xi32> to vector<1x64x128xi32>
    tpu.vector_store %arg8[%swap3A_300, %swap3A_301, %swap3A_302], %swap3A_305 {strides = array<i32>} : memref<1x1024x128xi32, #tpu.memory_space<vmem>>, vector<1x64x128xi32>,
    %slice3A_306 = vector.extract_strided_slice %or3A_284 {offsets = [192, 0], sizes = [64, 128], strides = [1, 1]} : vector<256x128xi32> to vector<64x128xi32>
    %swap3A_307 = arith.constant 0 : index
    %swap3A_308 = arith.constant 960 : index
    %swap3A_309 = arith.constant 0 : index
    %swap3A_310 = vector.load %arg8[%swap3A_307, %swap3A_308, %swap3A_309] : memref<1x1024x128xi32, #tpu.memory_space<vmem>>, vector<1x64x128xi32>
    %swap3A_311 = vector.shape_cast %swap3A_310 : vector<1x64x128xi32> to vector<64x128xi32>
    %swap3A_312 = vector.shape_cast %slice3A_306 : vector<64x128xi32> to vector<1x64x128xi32>
    tpu.vector_store %arg8[%swap3A_307, %swap3A_308, %swap3A_309], %swap3A_312 {strides = array<i32>} : memref<1x1024x128xi32, #tpu.memory_space<vmem>>, vector<1x64x128xi32>,
    %max3A_313 = arith.constant 9.99999993E-9 : f32
    %max3A_314 = vector.broadcast %max3A_313 : f32 to vector<1x256xf32>
    %max3A_315 = arith.maximumf %broadcast_in_dim3A, %max3A_314 : vector<1x256xf32>
    %div3A_316 = arith.divf %broadcast_in_dim3A, %max3A_315 : vector<1x256xf32>
    %min3A_317 = arith.constant 1.000000e+00 : f32
    %min3A_318 = vector.broadcast %min3A_317 : f32 to vector<1x256xf32>
    %min3A_319 = arith.minimumf %div3A_316, %min3A_318 : vector<1x256xf32>
    %reduce_sum3A_320 = vector.shape_cast %min3A_319 : vector<1x256xf32> to vector<1x1x256xf32>
    %reduce_sum3A_321 = arith.constant dense<0.000000e+00> : vector<1xf32>
    %reduce_sum3A_322 = vector.multi_reduction <add>, %reduce_sum3A_320, %reduce_sum3A_321 [1, 2] : vector<1x1x256xf32> to vector<1xf32>
    %reduce_sum3A_323 = vector.shape_cast %reduce_sum3A_322 : vector<1xf32> to vector<1x1x1xf32>
    %reduce_sum3A_324 = vector.extract %reduce_sum3A_323[0, 0, 0] : f32 from vector<1x1x1xf32>
    %broadcast_in_dim3A_325 = vector.broadcast %reduce_sum3A_324 : f32 to vector<1x1x128xf32>
    %swap3A_326 = arith.constant 0 : index
    %swap3A_327 = arith.constant 0 : index
    %swap3A_328 = arith.constant 0 : index
    %swap3A_329 = vector.load %arg9[%swap3A_326, %swap3A_327, %swap3A_328] : memref<1x1x128xf32, #tpu.memory_space<vmem>>, vector<1x1x128xf32>
    tpu.vector_store %arg9[%swap3A_326, %swap3A_327, %swap3A_328], %broadcast_in_dim3A_325 {strides = array<i32>} : memref<1x1x128xf32, #tpu.memory_space<vmem>>, vector<1x1x128xf32>,
    return
  }
  func.func @transform_0(%arg0: i32, %arg1: i32) -> (i32, i32, i32) {
    %c0_i32 = arith.constant 0 : i32
    %c0_i32_0 = arith.constant 0 : i32
    return %arg0, %c0_i32, %arg1 : i32, i32, i32
  }
  func.func @transform_1(%arg0: i32, %arg1: i32) -> (i32, i32, i32) {
    %c0_i32 = arith.constant 0 : i32
    %c0_i32_0 = arith.constant 0 : i32
    %c0_i32_1 = arith.constant 0 : i32
    return %arg0, %c0_i32, %c0_i32_0 : i32, i32, i32
  }
  func.func @transform_2(%arg0: i32, %arg1: i32) -> (i32, i32) {
    %c0_i32 = arith.constant 0 : i32
    %c0_i32_0 = arith.constant 0 : i32
    %c0_i32_1 = arith.constant 0 : i32
    return %c0_i32, %c0_i32_0 : i32, i32
  }
  func.func @transform_3(%arg0: i32, %arg1: i32) -> (i32, i32) {
    %c0_i32 = arith.constant 0 : i32
    %c0_i32_0 = arith.constant 0 : i32
    return %c0_i32, %arg1 : i32, i32
  }
  func.func @transform_4(%arg0: i32, %arg1: i32) -> (i32, i32, i32) {
    %c0_i32 = arith.constant 0 : i32
    %c0_i32_0 = arith.constant 0 : i32
    return %arg0, %arg1, %c0_i32 : i32, i32, i32
  }
  func.func @transform_5(%arg0: i32, %arg1: i32) -> (i32, i32, i32) {
    %mul3A = arith.constant 4 : i32
    %mul3A_0 = arith.muli %arg0, %mul3A : i32
    %add3A = arith.addi %mul3A_0, %arg1 : i32
    %c0_i32 = arith.constant 0 : i32
    %c0_i32_1 = arith.constant 0 : i32
    %c0_i32_2 = arith.constant 0 : i32
    return %add3A, %c0_i32, %c0_i32_1 : i32, i32, i32
  }
  func.func @transform_6(%arg0: i32, %arg1: i32) -> (i32, i32, i32) {
    %mul3A = arith.constant 4 : i32
    %mul3A_0 = arith.muli %arg0, %mul3A : i32
    %add3A = arith.addi %mul3A_0, %arg1 : i32
    %c0_i32 = arith.constant 0 : i32
    %c0_i32_1 = arith.constant 0 : i32
    %c0_i32_2 = arith.constant 0 : i32
    return %add3A, %c0_i32, %c0_i32_1 : i32, i32, i32
  }
  func.func @transform_7(%arg0: i32, %arg1: i32) -> (i32, i32, i32) {
    %mul3A = arith.constant 4 : i32
    %mul3A_0 = arith.muli %arg0, %mul3A : i32
    %add3A = arith.addi %mul3A_0, %arg1 : i32
    %c0_i32 = arith.constant 0 : i32
    %c0_i32_1 = arith.constant 0 : i32
    %c0_i32_2 = arith.constant 0 : i32
    return %add3A, %c0_i32, %c0_i32_1 : i32, i32, i32
  }
}

module attributes {stable_mosaic.version = 14 : i64} {
  func.func @_final_body(%arg0: memref<8x4x256xf32, #tpu.memory_space<vmem>>, %arg1: memref<8x4x128xf32, #tpu.memory_space<vmem>>, %arg2: memref<1x128xf32, #tpu.memory_space<vmem>>) attributes {dimension_semantics = [], scalar_prefetch = 0 : i64, scratch_operands = 0 : i64, tpu.core_type = #tpu.core_type<tc>} {
    %get3A = arith.constant 0 : index
    %get3A_0 = arith.constant 0 : index
    %get3A_1 = arith.constant 0 : index
    %get3A_2 = vector.load %arg0[%get3A, %get3A_0, %get3A_1] : memref<8x4x256xf32, #tpu.memory_space<vmem>>, vector<8x4x256xf32>
    %get3A_3 = arith.constant 0 : index
    %get3A_4 = arith.constant 0 : index
    %get3A_5 = arith.constant 0 : index
    %get3A_6 = vector.load %arg1[%get3A_3, %get3A_4, %get3A_5] : memref<8x4x128xf32, #tpu.memory_space<vmem>>, vector<8x4x128xf32>
    %reduce_sum3A = arith.constant dense<0.000000e+00> : vector<8x256xf32>
    %reduce_sum3A_7 = vector.multi_reduction <add>, %get3A_2, %reduce_sum3A [1] : vector<8x4x256xf32> to vector<8x256xf32>
    %reduce_sum3A_8 = arith.constant dense<0.000000e+00> : vector<8x128xf32>
    %reduce_sum3A_9 = vector.multi_reduction <add>, %get3A_6, %reduce_sum3A_8 [1] : vector<8x4x128xf32> to vector<8x128xf32>
    %slice3A = vector.extract_strided_slice %reduce_sum3A_9 {offsets = [0, 0], sizes = [8, 1], strides = [1, 1]} : vector<8x128xf32> to vector<8x1xf32>
    %div3A = arith.constant 1.024000e+03 : f32
    %div3A_10 = vector.broadcast %div3A : f32 to vector<8x1xf32>
    %div3A_11 = arith.divf %slice3A, %div3A_10 : vector<8x1xf32>
    %div3A_12 = arith.constant 1.024000e+03 : f32
    %div3A_13 = vector.broadcast %div3A_12 : f32 to vector<8x256xf32>
    %div3A_14 = arith.divf %reduce_sum3A_7, %div3A_13 : vector<8x256xf32>
    %div3A_15 = arith.constant 2.000000e+00 : f32
    %div3A_16 = vector.broadcast %div3A_15 : f32 to vector<8x256xf32>
    %div3A_17 = arith.divf %div3A_14, %div3A_16 : vector<8x256xf32>
    %sub3A = arith.constant 1.000000e+00 : f32
    %sub3A_18 = vector.broadcast %sub3A : f32 to vector<8x256xf32>
    %sub3A_19 = arith.subf %sub3A_18, %div3A_17 : vector<8x256xf32>
    %log3A = math.log %sub3A_19 : vector<8x256xf32>
    %max3A = arith.constant -1.000000e+02 : f32
    %max3A_20 = vector.broadcast %max3A : f32 to vector<8x256xf32>
    %max3A_21 = arith.maximumf %log3A, %max3A_20 : vector<8x256xf32>
    %gt3A = arith.constant 0.000000e+00 : f32
    %gt3A_22 = vector.broadcast %gt3A : f32 to vector<8x1xf32>
    %gt3A_23 = arith.cmpf ogt, %div3A_11, %gt3A_22 : vector<8x1xf32>
    %jit3A = arith.constant 5.000000e-01 : f32
    %broadcast_in_dim3A = vector.broadcast %jit3A : f32 to vector<8x1xf32>
    %select_n3A = arith.select %gt3A_23, %div3A_11, %broadcast_in_dim3A : vector<8x1xi1>, vector<8x1xf32>
    %gt3A_24 = arith.constant 0.000000e+00 : f32
    %gt3A_25 = vector.broadcast %gt3A_24 : f32 to vector<8x1xf32>
    %gt3A_26 = arith.cmpf ogt, %div3A_11, %gt3A_25 : vector<8x1xf32>
    %log3A_27 = math.log %select_n3A : vector<8x1xf32>
    %max3A_28 = arith.constant -1.000000e+02 : f32
    %max3A_29 = vector.broadcast %max3A_28 : f32 to vector<8x1xf32>
    %max3A_30 = arith.maximumf %log3A_27, %max3A_29 : vector<8x1xf32>
    %jit3A_31 = arith.constant -1.000000e+02 : f32
    %broadcast_in_dim3A_32 = vector.broadcast %jit3A_31 : f32 to vector<8x1xf32>
    %select_n3A_33 = arith.select %gt3A_26, %max3A_30, %broadcast_in_dim3A_32 : vector<8x1xi1>, vector<8x1xf32>
    %reduce_sum3A_34 = arith.constant dense<0.000000e+00> : vector<8xf32>
    %reduce_sum3A_35 = vector.multi_reduction <add>, %max3A_21, %reduce_sum3A_34 [1] : vector<8x256xf32> to vector<8xf32>
    %broadcast_in_dim3A_36 = vector.shape_cast %reduce_sum3A_35 : vector<8xf32> to vector<8x1xf32>
    %add3A = arith.addf %select_n3A_33, %broadcast_in_dim3A_36 : vector<8x1xf32>
    %neg3A = arith.constant 0.000000e+00 : f32
    %neg3A_37 = vector.broadcast %neg3A : f32 to vector<8x1xf32>
    %neg3A_38 = arith.subf %neg3A_37, %add3A : vector<8x1xf32>
    %div3A_39 = arith.constant 2.570000e+02 : f32
    %div3A_40 = vector.broadcast %div3A_39 : f32 to vector<8x1xf32>
    %div3A_41 = arith.divf %neg3A_38, %div3A_40 : vector<8x1xf32>
    %reduce_sum3A_42 = vector.shape_cast %div3A_41 : vector<8x1xf32> to vector<1x8x1xf32>
    %reduce_sum3A_43 = arith.constant dense<0.000000e+00> : vector<1xf32>
    %reduce_sum3A_44 = vector.multi_reduction <add>, %reduce_sum3A_42, %reduce_sum3A_43 [1, 2] : vector<1x8x1xf32> to vector<1xf32>
    %reduce_sum3A_45 = vector.shape_cast %reduce_sum3A_44 : vector<1xf32> to vector<1x1x1xf32>
    %reduce_sum3A_46 = vector.extract %reduce_sum3A_45[0, 0, 0] : f32 from vector<1x1x1xf32>
    %div3A_47 = arith.constant 8.000000e+00 : f32
    %div3A_48 = arith.divf %reduce_sum3A_46, %div3A_47 : f32
    %reduce_sum3A_49 = vector.shape_cast %div3A_11 : vector<8x1xf32> to vector<1x8x1xf32>
    %reduce_sum3A_50 = arith.constant dense<0.000000e+00> : vector<1xf32>
    %reduce_sum3A_51 = vector.multi_reduction <add>, %reduce_sum3A_49, %reduce_sum3A_50 [1, 2] : vector<1x8x1xf32> to vector<1xf32>
    %reduce_sum3A_52 = vector.shape_cast %reduce_sum3A_51 : vector<1xf32> to vector<1x1x1xf32>
    %reduce_sum3A_53 = vector.extract %reduce_sum3A_52[0, 0, 0] : f32 from vector<1x1x1xf32>
    %div3A_54 = arith.constant 8.000000e+00 : f32
    %div3A_55 = arith.divf %reduce_sum3A_53, %div3A_54 : f32
    %reduce_sum3A_56 = vector.shape_cast %div3A_17 : vector<8x256xf32> to vector<1x8x256xf32>
    %reduce_sum3A_57 = arith.constant dense<0.000000e+00> : vector<1xf32>
    %reduce_sum3A_58 = vector.multi_reduction <add>, %reduce_sum3A_56, %reduce_sum3A_57 [1, 2] : vector<1x8x256xf32> to vector<1xf32>
    %reduce_sum3A_59 = vector.shape_cast %reduce_sum3A_58 : vector<1xf32> to vector<1x1x1xf32>
    %reduce_sum3A_60 = vector.extract %reduce_sum3A_59[0, 0, 0] : f32 from vector<1x1x1xf32>
    %div3A_61 = arith.constant 2.560000e+02 : f32
    %div3A_62 = arith.divf %reduce_sum3A_60, %div3A_61 : f32
    %mul3A = arith.constant 2.000000e+00 : f32
    %mul3A_63 = arith.mulf %div3A_62, %mul3A : f32
    %div3A_64 = arith.constant 8.000000e+00 : f32
    %div3A_65 = arith.divf %mul3A_63, %div3A_64 : f32
    %iota3A = tpu.iota {dimensions = array<i32: 1>} : vector<1x128xi32>
    %eq3A = arith.constant 0 : i32
    %eq3A_66 = vector.broadcast %eq3A : i32 to vector<1x128xi32>
    %eq3A_67 = arith.cmpi eq, %iota3A, %eq3A_66 : vector<1x128xi32>
    %eq3A_68 = arith.constant 1 : i32
    %eq3A_69 = vector.broadcast %eq3A_68 : i32 to vector<1x128xi32>
    %eq3A_70 = arith.cmpi eq, %iota3A, %eq3A_69 : vector<1x128xi32>
    %eq3A_71 = arith.constant 2 : i32
    %eq3A_72 = vector.broadcast %eq3A_71 : i32 to vector<1x128xi32>
    %eq3A_73 = arith.cmpi eq, %iota3A, %eq3A_72 : vector<1x128xi32>
    %jit3A_74 = arith.constant 0.000000e+00 : f32
    %broadcast_in_dim3A_75 = vector.broadcast %div3A_65 : f32 to vector<1x128xf32>
    %broadcast_in_dim3A_76 = vector.broadcast %jit3A_74 : f32 to vector<1x128xf32>
    %select_n3A_77 = arith.select %eq3A_73, %broadcast_in_dim3A_75, %broadcast_in_dim3A_76 : vector<1x128xi1>, vector<1x128xf32>
    %broadcast_in_dim3A_78 = vector.broadcast %div3A_55 : f32 to vector<1x128xf32>
    %select_n3A_79 = arith.select %eq3A_70, %broadcast_in_dim3A_78, %select_n3A_77 : vector<1x128xi1>, vector<1x128xf32>
    %broadcast_in_dim3A_80 = vector.broadcast %div3A_48 : f32 to vector<1x128xf32>
    %select_n3A_81 = arith.select %eq3A_67, %broadcast_in_dim3A_80, %select_n3A_79 : vector<1x128xi1>, vector<1x128xf32>
    %swap3A = arith.constant 0 : index
    %swap3A_82 = arith.constant 0 : index
    %swap3A_83 = vector.load %arg2[%swap3A, %swap3A_82] : memref<1x128xf32, #tpu.memory_space<vmem>>, vector<1x128xf32>
    tpu.vector_store %arg2[%swap3A, %swap3A_82], %select_n3A_81 {strides = array<i32>} : memref<1x128xf32, #tpu.memory_space<vmem>>, vector<1x128xf32>,
    return
  }
}

</mosaic_0001>

<sc_bundles>
// kernel: kernel.5.cloned.1.call-start
scs
__scs_entry_jumppad:
0x0: {  	(pc) =	sbr.rel $0x88, $3  }
0x1: {  	(tag) =	ssettag $0x0;
	lr =	simm.s32 $0x1  }
0x2: {  	[smem:$0x3F9E] =	sst lr;
	_ =	strace $0xD0000000  }
0x3: {  	_ = 	snop  }
0x4: {  	_ = 	snop  }
0x5: {  	_ = 	snop  }
0x6: {  	_ = 	snop  }
0x7: {  	_ = 	snop  }
__scs_overlays_trampoline_lowered:
0x8: {  	[smem:$0x3FAD] =	sst s0  }
0x9: {  	[smem:$0x3FAE] =	sst s1  }
0xa: {  	[smem:$0x3FAF] =	sst s2  }
0xb: {  	[smem:$0x3FB0] =	sst s3  }
0xc: {  	[smem:$0x3FB1] =	sst s4  }
0xd: {  	[smem:$0x3FB2] =	sst s5  }
0xe: {  	[smem:$0x3FB3] =	sst s6  }
0xf: {  	[smem:$0x3FB4] =	sst s7  }
0x10: {  	[smem:$0x3FB5] =	sst s8  }
0x11: {  	[smem:$0x3FB6] =	sst s9;
	s0 =	simm.s32 @!p0 $0x0  }
0x12: {  	s1 =	sld [smem:$0x3F9C];
	s0 =	simm.s32 @p0 $0x1  }
0x13: {  	[smem:$0x3FB7] =	sst s0;
	s0 =	simm.s32 @!p1 $0x0  }
0x14: {  	s2 =	sld [smem:$0x3F9B];
	s0 =	simm.s32 @p1 $0x1  }
0x15: {  	[smem:$0x3FB8] =	sst s0;
	s0 =	simm.s32 @!p2 $0x0  }
0x16: {  	s3 =	sld [smem:$0x3FDB];
	s0 =	simm.s32 @p2 $0x1  }
0x17: {  	s4 =	simm.s32 $0x1BF5;
	[smem:$0x3FBA] =	sst s0  }
0x18: {  	s0 =	sld [smem:$0x3F9D];
	_ =	swait.ge [sflag:s4], $0x0  }
0x19: {  	s7 =	sld [smem:$0x3F9E]  }
0x1a: {  	s8 =	sadd.s32 $0xFFFFE003, lr  }
0x1b: {  	s9 =	sadd.s32 $0xFFFFFEF7, lr;
	s5 =	simm.s32 $0xFFFFFFFF;
	p2 =	slt.u32 s8, $0xFFFFF086  }
0x1c: {  	p1 =	slt.u32 s9, $0xF7A;
	s5 =	simm.s32 @!p2 $0x0  }
0x1d: {  	s5 =	simm.s32 @p1 $0x1;
	p0 =	seq.s32 s7, s2  }
0x1e: {  	s7 =	smul.u32 @!p0 $0xF7A, s2;
	p2 =	seq.s32 @!p0 s5, $0x0  }
0x1f: {  	s9 =	smul.u32 $0xF7A, s1;
	s8 =	simm.s32 @!p0 $0x1BF5;
	p2 =	por !p2, p0  }
0x20: {  	[sflag:s8] =	ssyncset.s32 @!p0 $0xFFFFF086;
	s6 =	sadd.s32 @!p0 s3, s7;
	s7 =	simm.s32 @!p0 $0x108  }
0x21: {  	s3 =	sadd.s32 s3, s9;
	s6 =	sadd.s32 @!p0 $0x88, s6;
	s7 =	simm.s32 @p2 $0x1082  }
0x22: {  	[simem:s7], [sflag:s8] =	dma.local @!p0 [hbm:s6], $0xF7A  }
0x23: {  	s9 =	sor.u32 $0xD0000000, s2;
	s6 =	simm.s32 $0x108;
	_ =	swait.ge @!p0 [sflag:s8], $0x0  }
0x24: {  	s3 =	sadd.s32 $0x88, s3;
	s6 =	simm.s32 @!p1 $0x1082;
	[sflag:s4] =	ssyncset.s32 $0xFFFFF086  }
0x25: {  	[simem:s6], [sflag:s4] =	dma.local [hbm:s3], $0xF7A  }
0x26: {  	[smem:$0x3F9E] =	sst s1;
	(tag) =	ssettag s2;
	_ =	strace s9  }
0x27: {  	s1 =	sld [smem:$0x3FAE]  }
0x28: {  	s2 =	sld [smem:$0x3FAF]  }
0x29: {  	s4 =	sld [smem:$0x3FB1]  }
0x2a: {  	p0 =	seq.s32 s5, $0x0;
	s5 =	sld [smem:$0x3FB2]  }
0x2b: {  	s6 =	sld [smem:$0x3FB3]  }
0x2c: {  	s7 =	sld [smem:$0x3FB4]  }
0x2d: {  	s3 =	simm.s32 $0x108;
	s8 =	sld [smem:$0x3FB5]  }
0x2e: {  	s3 =	simm.s32 @!p0 $0x1082;
	s9 =	sld [smem:$0x3FB6]  }
0x2f: {  	lr =	sadd.s32 s0, s3;
	s0 =	sld [smem:$0x3FAD]  }
0x30: {  	s3 =	sld [smem:$0x3FB0]  }
0x31: {  	[smem:$0x3FB9] =	sst s10  }
0x32: {  	s10 =	sld [smem:$0x3FB7];
	_ =	sdelay $0x3  }
0x33: {  	p0 =	seq.s32 s10, $0x1;
	s10 =	sld [smem:$0x3FB9];
	_ =	sdelay $0x3  }
0x34: {  	[smem:$0x3FB9] =	sst s10  }
0x35: {  	s10 =	sld [smem:$0x3FB8];
	_ =	sdelay $0x3  }
0x36: {  	p1 =	seq.s32 s10, $0x1;
	s10 =	sld [smem:$0x3FB9];
	_ =	sdelay $0x3  }
0x37: {  	[smem:$0x3FB9] =	sst s10  }
0x38: {  	s10 =	sld [smem:$0x3FBA]  }
0x39: {  	_ = 	snop;
	(pc) =	sbr.ind lr, $3  }
0x3a: {  	_ = 	snop  }
0x3b: {  	_ = 	snop  }
0x3c: {  	p2 =	seq.s32 s10, $0x1;
	s10 =	sld [smem:$0x3FB9]  }
0x3d: {  	_ =	shalt  }
0x3e: {  	_ =	shalt  }
0x3f: {  	_ =	shalt  }
0x40: {  	_ =	shalt  }
0x41: {  	_ =	shalt  }
0x42: {  	_ =	shalt  }
0x43: {  	_ =	shalt  }
0x44: {  	_ =	shalt  }
0x45: {  	_ =	shalt  }
0x46: {  	_ =	shalt  }
0x47: {  	_ =	shalt  }
0x48: {  	_ =	shalt  }
0x49: {  	_ =	shalt  }
0x4a: {  	_ =	shalt  }
0x4b: {  	_ =	shalt  }
0x4c: {  	_ =	shalt  }
0x4d: {  	_ =	shalt  }
0x4e: {  	_ =	shalt  }
0x4f: {  	_ =	shalt  }
0x50: {  	_ =	shalt  }
0x51: {  	_ =	shalt  }
0x52: {  	_ =	shalt  }
0x53: {  	_ =	shalt  }
0x54: {  	_ =	shalt  }
0x55: {  	_ =	shalt  }
0x56: {  	_ =	shalt  }
0x57: {  	_ =	shalt  }
0x58: {  	_ =	shalt  }
0x59: {  	_ =	shalt  }
0x5a: {  	_ =	shalt  }
0x5b: {  	_ =	shalt  }
0x5c: {  	_ =	shalt  }
0x5d: {  	_ =	shalt  }
0x5e: {  	_ =	shalt  }
0x5f: {  	_ =	shalt  }
0x60: {  	_ =	shalt  }
0x61: {  	_ =	shalt  }
0x62: {  	_ =	shalt  }
0x63: {  	_ =	shalt  }
0x64: {  	_ =	shalt  }
0x65: {  	_ =	shalt  }
0x66: {  	_ =	shalt  }
0x67: {  	_ =	shalt  }
0x68: {  	_ =	shalt  }
0x69: {  	_ =	shalt  }
0x6a: {  	_ =	shalt  }
0x6b: {  	_ =	shalt  }
0x6c: {  	_ =	shalt  }
0x6d: {  	_ =	shalt  }
0x6e: {  	_ =	shalt  }
0x6f: {  	_ =	shalt  }
0x70: {  	_ =	shalt  }
0x71: {  	_ =	shalt  }
0x72: {  	_ =	shalt  }
0x73: {  	_ =	shalt  }
0x74: {  	_ =	shalt  }
0x75: {  	_ =	shalt  }
0x76: {  	_ =	shalt  }
0x77: {  	_ =	shalt  }
0x78: {  	_ =	shalt  }
0x79: {  	_ =	shalt  }
0x7a: {  	_ =	shalt  }
0x7b: {  	_ =	shalt  }
0x7c: {  	_ =	shalt  }
0x7d: {  	_ =	shalt  }
0x7e: {  	_ =	shalt  }
0x7f: {  	_ =	shalt  }
0x80: {  	_ =	shalt  }
0x81: {  	_ =	shalt  }
0x82: {  	_ =	shalt  }
0x83: {  	_ =	shalt  }
0x84: {  	_ =	shalt  }
0x85: {  	_ =	shalt  }
0x86: {  	_ =	shalt  }
0x87: {  	_ =	shalt  }
.Lfunc_end0:
.L_simem_size_0:
called_computation_lowered:
.L_overlay_start_0:
0x88: {  	s2 =	sld [smem:$0x3FD9]  }
0x89: {  	s3 =	sld [smem:$0x3FFE];
	_ =	sdelay $0x1  }
0x8a: {  	s1 =	srdreg.scid  }
0x8b: {  	s0 =	sand.u32 $0x1, s1  }
0x8c: {  	s16 =	sshll.u32 s0, $0xA;
	s2 =	sadd.s32 s3, s2  }
0x8d: {  	s2 =	sadd.s32 s2, s16  }
0x8e: {  	[smem:$0x3FC5] =	sst s2  }
0x8f: {  	_ = 	snop  }
0x90: {  	(tm) =	ssettm $0x1  }
0x91: {  	s17 =	sld [smem:$0x3FFB];
	_ =	sdelay $0x3  }
0x92: {  	_ =	strace s17  }
0x93: {  	s2 =	sld [smem:$0x3FFC];
	_ =	sdelay $0x3  }
0x94: {  	_ =	strace s2  }
0x95: {  	s2 =	sld [smem:$0x3FFD];
	_ =	sdelay $0x3  }
0x96: {  	_ =	strace s2  }
0x97: {  	_ =	strace $0x8FFFFFFF  }
0x98: {  	s18 =	sld [smem:$0x3FDB];
	_ =	sdelay $0x1  }
0x99: {  	s19 =	simm.s32 $_scs_section_size  }
0x9a: {  	s4 =	simm.s32 $_size__tile_overlayer_lowered;
	s5 =	simm.s32 $_tile_overlayer_lowered  }
0x9b: {  	s22 =	simm.s32 $0x1BFF;
	s21 =	sshll.u32 s5, $0x1;
	s2 =	sadd.s32 s19, s18  }
0x9c: {  	s6 =	simm.s32 $0x0;
	s20 =	sshll.u32 s4, $0x1;
	s4 =	sadd.s32 s21, s2  }
0x9d: {  	[timem:s6], [sflag:s22] =	dma.local [hbm:s4], s20  }
0x9e: {  	_ =	swait.ge [sflag:s22], s20  }
0x9f: {  	s3 =	ssub.s32 $0x0, s20;
	[sflag:s22] =	ssyncset.done $0x0  }
0xa0: {  	[sflag:s22] =	ssyncadd.s32 s3;
	_ =	sdelay $0x1  }
0xa1: {  	s23 =	simm.s32 $0x1B8B  }
0xa2: {  	_ =	swait.ge [sflag:s23], $0x1  }
0xa3: {  	[sflag:s23] =	ssyncset.done $0x0  }
0xa4: {  	s25 =	simm.s32 $0x1B8E;
	s24 =	sld [smem:$0x3FFE];
	[sflag:s23] =	ssyncadd.s32 $0xFFFFFFFF  }
0xa5: {  	s26 =	simm.s32 $execute0_lowered;
	[smem:$0x3FD2] =	sst s25  }
0xa6: {  	s4 =	sshll.u32 s26, $0x1;
	_ =	strace $0x80000046;
	[dreg:$0x1] =	wrdreg $0xFFFFFFFF  }
0xa7: {  	s28 =	simm.s32 $_size_execute0_lowered;
	s2 =	sadd.s32 s2, s4;
	[dreg:$0x0] =	wrdreg $0x0  }
0xa8: {  	s4 =	sshll.u32 s28, $0x1;
	[dreg:$0x2] =	wrdreg s2  }
0xa9: {  	[dreg:$0x3] =	wrdreg s4  }
0xaa: {  	[dreg:$0x4] =	wrdreg $0xC0  }
0xab: {  	_ =	task [dreg:s6], $0x5FFFF  }
0xac: {  	[dreg:$0x1] =	wrdreg $0xFFFFFFFF  }
0xad: {  	[dreg:$0x0] =	wrdreg $0x60  }
0xae: {  	[dreg:$0x2] =	wrdreg s24  }
0xaf: {  	[dreg:$0x3] =	wrdreg $0x9  }
0xb0: {  	_ =	task.clear_ibuf [dreg:s6], $0x4FFFF;
	_ =	strace $0x90000046  }
0xb1: {  	s29 =	simm.s32 $0x9;
	_ =	strace $0x80000048  }
0xb2: {  	_ =	swait.ge [sflag:s29], $0x1  }
0xb3: {  	[sflag:s29] =	ssyncadd.s32 $0xFFFFFFFF  }
0xb4: {  	_ =	strace $0x90000048  }
0xb5: {  	_ =	sfence  }
0xb6: {  	s30 =	sld [smem:$0x0];
	_ =	sdelay $0x2  }
0xb7: {  	s31 =	sshll.u32 s1, $0xD;
	s1 =	sshrl.u32 s1, $0x2  }
0xb8: {  	s3 =	sand.u32 $0x4000, s31;
	s1 =	sadd.s32 s1, s30  }
0xb9: {  	s0 =	sor.u32 s3, s0;
	s1 =	sshll.u32 s1, $0x11  }
0xba: {  	s0 =	sor.u32 s1, s0  }
0xbb: {  	s0 =	sadd.s32 $0x8F2B, s0  }
0xbc: {  	[sflag:s0] =	ssyncadd.remote.s32 $0x1  }
0xbd: {  	_ =	sfence.sel $0xFFFF  }
0xbe: {  	[dreg:$0x0] =	wrdreg $0xFFFFFFFF;
	(pc) =	sbr.abs _section_cstart, $3  }
0xbf: {  	[dreg:$0x1] =	wrdreg $0xFFFFFFFF  }
0xc0: {  	_ =	task.clear_ibuf [dreg:s6], $0x2FFFF;
	_ =	strace $0x9FFFFFFF  }
0xc1: {  	(tm) =	ssettm $0x7FFFFFFF  }
tec
execute0_lowered:
.L_overlay_start_1:
0x0: {  	(tag) =	ssettag $0x1  }
0x1: {  	s1 =	srdreg.scid  }
0x2: {  	s0 =	stileid.u32;
	s3 =	rddreg [dreg:$0x0];
	s2 =	simm.s32 $0x0  }
0x3: {  	s9 =	simm.s32 $0x14000;
	s10 =	simm.s32 $0x1;
	s11 =	simm.s32 $0x2  }
0x4: {  	s12 =	simm.s32 $0x3;
	s13 =	simm.s32 $0x4;
	s14 =	simm.s32 $0x18000  }
0x5: {  	s15 =	simm.s32 $0x5;
	s16 =	simm.s32 $0x0;
	s20 =	simm.s32 $0x0  }
0x6: {  	s4 =	sand.u32 $0x1, s1;
	s5 =	sshll.u32 s0, $0x1;
	[smem:$0x7FF] =	sst s2  }
0x7: {  	s1 =	rddreg [dreg:$0x1];
	s5 =	sor.u32 s4, s5;
	_ =	strace $0x80000047  }
0x8: {  	s4 =	ssub.s32 $0x2, s4;
	s6 =	sshll.u32 s5, $0xE;
	s7 =	sshll.u32 s5, $0xD  }
0x9: {  	s5 =	sshll.u32 s5, $0x5;
	s31 =	sshrl.u32 s4, $0x1;
	s6 =	sadd.s32 s6, s3  }
0xa: {  	s7 =	sadd.s32 s7, s3;
	s5 =	sadd.s32 s5, s3;
	s8 =	ssub.s32 s4, s31  }
0xb: {  	s3 =	sadd.s32 $0x1600, s6;
	s4 =	sadd.s32 $0x81600, s7;
	s5 =	sadd.s32 $0xC1600, s5  }
0xc: {  	s6 =	smax.u32 s8, $0x1;
	s7 =	simm.s32 $0x10000;
	s8 =	simm.s32 $0x8000  }
.LBB2_1:
0xd: {  	v8 =	vimm.f32 $0.0e+00  }
0xe: {  	v0 =	vimm.f32 $0.0e+00;
	v1 =	vimm.f32 $0.0e+00;
	v2 =	vimm.f32 $0.0e+00  }
0xf: {  	v3 =	vimm.f32 $0.0e+00;
	v4 =	vimm.f32 $0.0e+00;
	v5 =	vimm.f32 $0.0e+00  }
0x10: {  	[tilespmem:s2], [sflag:$0x1] =	stream.linear.gather [hbm4b:s3+s2], $0x8000, $0x38;
	v6 =	vimm.f32 $0.0e+00;
	v7 =	vimm.f32 $0.0e+00;
	v14 =	vimm.f32 $0.0e+00;
	[tilespmem:$0x18100] =	vst v63  }
0x11: {  	v12 =	vimm.f32 $0.0e+00;
	v9 =	vimm.f32 $0.0e+00;
	v11 =	vimm.f32 $0.0e+00;
	p2 =	por $0x1, $0x1;
	p1 =	por $0x0, $0x0;
	s17 =	simm.s32 $0x0  }
0x12: {  	v10 =	vimm.f32 $0.0e+00;
	v22 =	vimm.f32 $0.0e+00;
	v23 =	vimm.f32 $0.0e+00;
	[tilespmem:s7], [sflag:$0x2] =	stream.linear.gather [hbm4b:s4+s2], $0x4000, $0x38;
	[tilespmem:$0x18100] =	vst v63  }
.LBB2_2:
0x13: {  	s18 =	sor.u32 $0x1, s17  }
0x14: {  	s19 =	sshll.u32 s18, $0xC  }
0x15: {  	s18 =	sshll.u32 s18, $0xB;
	s19 =	sadd.s32 s19, s3  }
0x16: {  	[tilespmem:s8], [sflag:$0x3] =	stream.linear.gather [hbm4b:s19+s20], $0x8000, $0x38;
	[tilespmem:$0x18100] =	vst v63  }
0x17: {  	s18 =	sadd.s32 s18, s4  }
0x18: {  	[tilespmem:s9], [sflag:$0x4] =	stream.linear.gather [hbm4b:s18+s20], $0x4000, $0x38;
	[tilespmem:$0x18100] =	vst v63  }
0x19: {  	_ =	swait.ge [sflag:s10], $0x8000  }
0x1a: {  	[sflag:s10] =	ssyncset.done $0x0  }
0x1b: {  	[sflag:s10] =	ssyncadd.s32 $0xFFFF8000  }
0x1c: {  	_ =	swait.ge [sflag:s11], $0x4000  }
0x1d: {  	[sflag:s11] =	ssyncset.done $0x0  }
0x1e: {  	s31 =	simm.s32 $0x0;
	[sflag:s11] =	ssyncadd.s32 $0xFFFFC000  }
0x1f: {  	v13 =	vld [tilespmem:s31+$0x100F0]  }
0x20: {  	v15 =	vld [tilespmem:s31+$0x10000]  }
0x21: {  	v16 =	vld [tilespmem:s31+$0x10010]  }
0x22: {  	v17 =	vld [tilespmem:s31+$0x10020]  }
0x23: {  	v18 =	vld [tilespmem:s31+$0x10030]  }
0x24: {  	v19 =	vld [tilespmem:s31+$0x10040]  }
0x25: {  	v21 =	vld [tilespmem:s31+$0x10050]  }
0x26: {  	v24 =	vld [tilespmem:s31+$0x10060]  }
0x27: {  	v25 =	vld [tilespmem:s31+$0x10070]  }
0x28: {  	v26 =	vld [tilespmem:s31+$0x10080]  }
0x29: {  	v27 =	vld [tilespmem:s31+$0x10090]  }
0x2a: {  	v29 =	vld [tilespmem:s31+$0x100A0];
	v20 =	vand.u32 $0x7FFF, v13  }
0x2b: {  	v34 =	vld [tilespmem:s31+$0x100C0];
	v28 =	vand.u32 $0x7FFF, v15  }
0x2c: {  	v38 =	vld [tilespmem:s31+$0x100D0];
	v30 =	vshrl.u32 v15, $0x1B;
	v15 =	vand.u32 $0x7FFF, v16  }
0x2d: {  	v42 =	vld [tilespmem:s31+$0x100E0];
	v32 =	vshrl.u32 v17, $0x1B;
	v17 =	vand.u32 $0x7FFF, v17  }
0x2e: {  	v31 =	vshrl.u32 v16, $0x1B;
	v16 =	vld [tilespmem:s31+$0x100B0];
	v37 =	vand.u32 $0x7FFF, v19  }
0x2f: {  	v35 =	vand.u32 $0x7FFF, v18;
	v20 =	vld.idx.msk [tilespmem:v20+s2+$0x0], $0xffff  }
0x30: {  	v33 =	vshrl.u32 v18, $0x1B;
	v36 =	vshrl.u32 v19, $0x1B;
	v40 =	vand.u32 $0x7FFF, v21;
	v28 =	vld.idx.msk [tilespmem:v28+s2+$0x0], $0xffff  }
0x31: {  	v39 =	vshrl.u32 v21, $0x1B;
	v41 =	vshrl.u32 v24, $0x1B;
	v24 =	vand.u32 $0x7FFF, v24;
	v45 =	vld.idx.msk [tilespmem:v15+s2+$0x0], $0xffff  }
0x32: {  	v43 =	vshrl.u32 v25, $0x1B;
	v44 =	vshrl.u32 v26, $0x1B;
	v26 =	vand.u32 $0x7FFF, v26;
	v46 =	vld.idx.msk [tilespmem:v17+s2+$0x0], $0xffff  }
0x33: {  	v25 =	vand.u32 $0x7FFF, v25;
	v18 =	vshrl.u32 v27, $0x1B;
	v27 =	vand.u32 $0x7FFF, v27;
	v37 =	vld.idx.msk [tilespmem:v37+s2+$0x0], $0xffff  }
0x34: {  	v13 =	vshrl.u32 v13, $0x1B;
	v19 =	vshrl.u32 v29, $0x1B;
	v29 =	vand.u32 $0x7FFF, v29;
	v35 =	vld.idx.msk [tilespmem:v35+s2+$0x0], $0xffff  }
0x35: {  	v21 =	vshrl.u32 v34, $0x1B;
	v34 =	vand.u32 $0x7FFF, v34;
	v40 =	vld.idx.msk [tilespmem:v40+s2+$0x0], $0xffff;
	v13 =	vshll.u32 v20, v13  }
0x36: {  	v47 =	vand.u32 $0x7FFF, v16;
	v17 =	vshrl.u32 v38, $0x1B;
	v24 =	vld.idx.msk [tilespmem:v24+s2+$0x0], $0xffff;
	v13 =	vand.u32 $0xFFFF0000, v13  }
0x37: {  	v15 =	vadd.f32 v13, v8;
	v8 =	vshll.u32 v28, v30;
	v28 =	vshll.u32 v45, v31;
	v31 =	vld.idx.msk [tilespmem:v26+s2+$0x0], $0xffff  }
0x38: {  	v38 =	vand.u32 $0x7FFF, v38;
	v26 =	vld.idx.msk [tilespmem:v27+s2+$0x0], $0xffff;
	v27 =	vshll.u32 v37, v36;
	v8 =	vand.u32 $0xFFFF0000, v8  }
0x39: {  	v30 =	vand.u32 $0x7FFF, v42;
	v27 =	vand.u32 $0xFFFF0000, v27;
	v13 =	vadd.f32 v8, v23  }
0x3a: {  	v25 =	vld.idx.msk [tilespmem:v25+s2+$0x0], $0xffff;
	v8 =	vand.u32 $0xFFFF0000, v28;
	v23 =	vshll.u32 v46, v32;
	v28 =	vshll.u32 v40, v39  }
0x3b: {  	v9 =	vadd.f32 v27, v9;
	v8 =	vadd.f32 v8, v22;
	v22 =	vand.u32 $0xFFFF0000, v23  }
0x3c: {  	v23 =	vshll.u32 v35, v33;
	v27 =	vand.u32 $0xFFFF0000, v28;
	v28 =	vshll.u32 v24, v41;
	v24 =	vld.idx.msk [tilespmem:v34+s2+$0x0], $0xffff  }
0x3d: {  	v10 =	vadd.f32 v22, v10;
	v23 =	vand.u32 $0xFFFF0000, v23;
	v22 =	vld.idx.msk [tilespmem:v29+s2+$0x0], $0xffff  }
0x3e: {  	v20 =	vshrl.u32 v16, $0x1B;
	v16 =	vshrl.u32 v42, $0x1B;
	v11 =	vadd.f32 v23, v11;
	v23 =	vld.idx.msk [tilespmem:v47+s2+$0x0], $0xffff  }
0x3f: {  	v12 =	vadd.f32 v27, v12;
	v27 =	vand.u32 $0xFFFF0000, v28;
	v28 =	vshll.u32 v25, v43;
	v25 =	vld.idx.msk [tilespmem:v38+s2+$0x0], $0xffff  }
0x40: {  	p0 =	por p2, p2;
	s19 =	simm.s32 $0x100;
	s18 =	simm.s32 $0x800;
	v14 =	vadd.f32 v27, v14;
	v28 =	vand.u32 $0xFFFF0000, v28;
	v29 =	vshll.u32 v31, v44;
	v27 =	vld.idx.msk [tilespmem:v30+s2+$0x0], $0xffff  }
.LBB2_3:
0x41: {  	p2 =	sne.s32 s18, $0xFC00;
	v30 =	vld [tilespmem:s19+$0x100F0];
	v7 =	vadd.f32 v28, v7;
	v28 =	vand.u32 $0xFFFF0000, v29;
	v18 =	vshll.u32 v26, v18  }
0x42: {  	v19 =	vshll.u32 v22, v19;
	v26 =	vld [tilespmem:s19+$0x10000];
	v6 =	vadd.f32 v28, v6;
	v18 =	vand.u32 $0xFFFF0000, v18  }
0x43: {  	v22 =	vld [tilespmem:s19+$0x10010];
	v5 =	vadd.f32 v18, v5;
	v18 =	vand.u32 $0xFFFF0000, v19;
	v19 =	vshll.u32 v23, v20  }
0x44: {  	v20 =	vld [tilespmem:s19+$0x10020];
	v4 =	vadd.f32 v18, v4;
	v18 =	vand.u32 $0xFFFF0000, v19;
	v19 =	vshll.u32 v24, v21  }
0x45: {  	v17 =	vshll.u32 v25, v17;
	v21 =	vld [tilespmem:s19+$0x10030];
	v3 =	vadd.f32 v18, v3;
	v18 =	vand.u32 $0xFFFF0000, v19  }
0x46: {  	v17 =	vand.u32 $0xFFFF0000, v17;
	v16 =	vshll.u32 v27, v16;
	v19 =	vld [tilespmem:s19+$0x10040];
	v23 =	vand.u32 $0x7FFF, v30  }
0x47: {  	v16 =	vand.u32 $0xFFFF0000, v16;
	v24 =	vshrl.u32 v26, $0x1B;
	v25 =	vand.u32 $0x7FFF, v26;
	v26 =	vld [tilespmem:s19+$0x10050]  }
0x48: {  	v2 =	vadd.f32 v18, v2;
	v27 =	vshrl.u32 v22, $0x1B;
	v22 =	vand.u32 $0x7FFF, v22;
	v28 =	vld [tilespmem:s19+$0x10060]  }
0x49: {  	v1 =	vadd.f32 v17, v1;
	v29 =	vshrl.u32 v20, $0x1B;
	v31 =	vand.u32 $0x7FFF, v20;
	v18 =	vld [tilespmem:s19+$0x10070]  }
0x4a: {  	v0 =	vadd.f32 v16, v0;
	v32 =	vshrl.u32 v21, $0x1B;
	v17 =	vand.u32 $0x7FFF, v21;
	v20 =	vld [tilespmem:s19+$0x10080]  }
0x4b: {  	v33 =	vshrl.u32 v19, $0x1B;
	v16 =	vand.u32 $0x7FFF, v19;
	v19 =	vld.idx.msk [tilespmem:v23+s2+$0x0], $0xffff  }
0x4c: {  	v23 =	vshrl.u32 v26, $0x1B;
	v26 =	vand.u32 $0x7FFF, v26;
	v21 =	vld [tilespmem:s19+$0x10090]  }
0x4d: {  	v34 =	vshrl.u32 v28, $0x1B;
	v28 =	vand.u32 $0x7FFF, v28;
	v35 =	vld [tilespmem:s19+$0x100A0]  }
0x4e: {  	v36 =	vshrl.u32 v18, $0x1B;
	v37 =	vand.u32 $0x7FFF, v18;
	v38 =	vld [tilespmem:s19+$0x100B0]  }
0x4f: {  	v39 =	vshrl.u32 v20, $0x1B;
	v40 =	vand.u32 $0x7FFF, v20;
	v41 =	vld [tilespmem:s19+$0x100C0]  }
0x50: {  	v20 =	vshrl.u32 v30, $0x1B;
	v42 =	vld [tilespmem:s19+$0x100D0]  }
0x51: {  	v20 =	vshll.u32 v19, v20;
	v18 =	vshrl.u32 v21, $0x1B;
	v30 =	vand.u32 $0x7FFF, v21;
	v43 =	vld [tilespmem:s19+$0x100E0]  }
0x52: {  	v21 =	vand.u32 $0xFFFF0000, v20;
	v25 =	vld.idx.msk [tilespmem:v25+s2+$0x0], $0xffff;
	v19 =	vshrl.u32 v35, $0x1B;
	v35 =	vand.u32 $0x7FFF, v35  }
0x53: {  	v15 =	vadd.f32 v21, v15;
	v22 =	vld.idx.msk [tilespmem:v22+s2+$0x0], $0xffff;
	v20 =	vshrl.u32 v38, $0x1B;
	v38 =	vand.u32 $0x7FFF, v38  }
0x54: {  	v31 =	vld.idx.msk [tilespmem:v31+s2+$0x0], $0xffff;
	v21 =	vshrl.u32 v41, $0x1B;
	v41 =	vand.u32 $0x7FFF, v41  }
0x55: {  	v44 =	vld.idx.msk [tilespmem:v17+s2+$0x0], $0xffff;
	v17 =	vshrl.u32 v42, $0x1B;
	v42 =	vand.u32 $0x7FFF, v42  }
0x56: {  	v45 =	vld.idx.msk [tilespmem:v16+s2+$0x0], $0xffff;
	v16 =	vshrl.u32 v43, $0x1B;
	v43 =	vand.u32 $0x7FFF, v43  }
0x57: {  	v46 =	vld.idx.msk [tilespmem:v26+s2+$0x0], $0xffff  }
0x58: {  	v24 =	vshll.u32 v25, v24;
	v25 =	vld.idx.msk [tilespmem:v28+s2+$0x0], $0xffff  }
0x59: {  	v24 =	vand.u32 $0xFFFF0000, v24;
	v22 =	vshll.u32 v22, v27;
	v27 =	vld.idx.msk [tilespmem:v37+s2+$0x0], $0xffff  }
0x5a: {  	v13 =	vadd.f32 v24, v13;
	v22 =	vand.u32 $0xFFFF0000, v22;
	v24 =	vshll.u32 v31, v29;
	v29 =	vld.idx.msk [tilespmem:v40+s2+$0x0], $0xffff  }
0x5b: {  	v8 =	vadd.f32 v22, v8;
	v22 =	vand.u32 $0xFFFF0000, v24;
	v24 =	vshll.u32 v44, v32;
	v26 =	vld.idx.msk [tilespmem:v30+s2+$0x0], $0xffff  }
.Ltmp0:
0x5c: {  	v10 =	vadd.f32 v22, v10;
	v24 =	vand.u32 $0xFFFF0000, v24;
	v28 =	vshll.u32 v45, v33;
	v22 =	vld.idx.msk [tilespmem:v35+s2+$0x0], $0xffff;
	(pc) =	sbr.rel @p2 .LBB2_3-.Ltmp0, $4  }
0x5d: {  	v11 =	vadd.f32 v24, v11;
	v24 =	vand.u32 $0xFFFF0000, v28;
	v28 =	vshll.u32 v46, v23;
	v23 =	vld.idx.msk [tilespmem:v38+s2+$0x0], $0xffff  }
0x5e: {  	v9 =	vadd.f32 v24, v9;
	v28 =	vand.u32 $0xFFFF0000, v28;
	v25 =	vshll.u32 v25, v34;
	v24 =	vld.idx.msk [tilespmem:v41+s2+$0x0], $0xffff  }
0x5f: {  	v12 =	vadd.f32 v28, v12;
	v28 =	vand.u32 $0xFFFF0000, v25;
	v27 =	vshll.u32 v27, v36;
	v25 =	vld.idx.msk [tilespmem:v42+s2+$0x0], $0xffff  }
0x60: {  	s19 =	sshra.s32 s18, $0x2;
	s18 =	sadd.s32 $0x400, s18;
	v14 =	vadd.f32 v28, v14;
	v28 =	vand.u32 $0xFFFF0000, v27;
	v29 =	vshll.u32 v29, v39;
	v27 =	vld.idx.msk [tilespmem:v43+s2+$0x0], $0xffff  }
0x61: {  	v30 =	vld [tilespmem:s19+$0x100F0]  }
0x62: {  	v31 =	vld [tilespmem:s19+$0x10000]  }
0x63: {  	v32 =	vld [tilespmem:s19+$0x10010]  }
0x64: {  	v33 =	vld [tilespmem:s19+$0x10020]  }
0x65: {  	v34 =	vld [tilespmem:s19+$0x10030]  }
0x66: {  	v35 =	vld [tilespmem:s19+$0x10040]  }
0x67: {  	v37 =	vld [tilespmem:s19+$0x10050]  }
0x68: {  	v38 =	vld [tilespmem:s19+$0x10060]  }
0x69: {  	v39 =	vld [tilespmem:s19+$0x10070]  }
0x6a: {  	v40 =	vld [tilespmem:s19+$0x10080]  }
0x6b: {  	v41 =	vld [tilespmem:s19+$0x10090]  }
0x6c: {  	v43 =	vld [tilespmem:s19+$0x100A0];
	v36 =	vand.u32 $0x7FFF, v30  }
0x6d: {  	v45 =	vld [tilespmem:s19+$0x100B0];
	v42 =	vand.u32 $0x7FFF, v31  }
0x6e: {  	v47 =	vld [tilespmem:s19+$0x100C0];
	v44 =	vand.u32 $0x7FFF, v32  }
0x6f: {  	v49 =	vld [tilespmem:s19+$0x100D0];
	v46 =	vand.u32 $0x7FFF, v33  }
0x70: {  	v51 =	vld [tilespmem:s19+$0x100E0];
	v48 =	vand.u32 $0x7FFF, v34  }
0x71: {  	v50 =	vand.u32 $0x7FFF, v35;
	v36 =	vld.idx.msk [tilespmem:v36+s2+$0x0], $0xffff  }
0x72: {  	v52 =	vand.u32 $0x7FFF, v37;
	v42 =	vld.idx.msk [tilespmem:v42+s2+$0x0], $0xffff  }
0x73: {  	v53 =	vand.u32 $0x7FFF, v38;
	v44 =	vld.idx.msk [tilespmem:v44+s2+$0x0], $0xffff  }
0x74: {  	v54 =	vand.u32 $0x7FFF, v39;
	v46 =	vld.idx.msk [tilespmem:v46+s2+$0x0], $0xffff  }
0x75: {  	v55 =	vand.u32 $0x7FFF, v40;
	v48 =	vld.idx.msk [tilespmem:v48+s2+$0x0], $0xffff  }
0x76: {  	v56 =	vand.u32 $0x7FFF, v41;
	v50 =	vld.idx.msk [tilespmem:v50+s2+$0x0], $0xffff  }
0x77: {  	v57 =	vand.u32 $0x7FFF, v43;
	v52 =	vld.idx.msk [tilespmem:v52+s2+$0x0], $0xffff  }
0x78: {  	v58 =	vand.u32 $0x7FFF, v45;
	v53 =	vld.idx.msk [tilespmem:v53+s2+$0x0], $0xffff  }
0x79: {  	v7 =	vadd.f32 v28, v7;
	v28 =	vand.u32 $0xFFFF0000, v29;
	v29 =	vand.u32 $0x7FFF, v47;
	v54 =	vld.idx.msk [tilespmem:v54+s2+$0x0], $0xffff  }
0x7a: {  	v18 =	vshll.u32 v26, v18;
	v6 =	vadd.f32 v28, v6;
	v26 =	vand.u32 $0x7FFF, v49;
	v28 =	vld.idx.msk [tilespmem:v55+s2+$0x0], $0xffff  }
0x7b: {  	v19 =	vshll.u32 v22, v19;
	v18 =	vand.u32 $0xFFFF0000, v18;
	v22 =	vand.u32 $0x7FFF, v51;
	v63 =	vld.idx.msk [tilespmem:v56+s2+$0x0], $0xffff  }
0x7c: {  	v19 =	vand.u32 $0xFFFF0000, v19;
	v5 =	vadd.f32 v18, v5;
	v18 =	vshll.u32 v23, v20;
	v20 =	vld.idx.msk [tilespmem:v57+s2+$0x0], $0xffff  }
0x7d: {  	s17 =	sadd.s32 @!p1 $0x2, s17;
	v4 =	vadd.f32 v19, v4;
	v19 =	vshll.u32 v24, v21;
	v18 =	vand.u32 $0xFFFF0000, v18;
	v21 =	vld.idx.msk [tilespmem:v58+s2+$0x0], $0xffff  }
0x7e: {  	s18 =	sshll.u32 @!p1 s17, $0xC;
	v18 =	vadd.f32 v18, v3;
	v3 =	vshll.u32 v25, v17;
	v17 =	vand.u32 $0xFFFF0000, v19;
	v19 =	vld.idx.msk [tilespmem:v29+s2+$0x0], $0xffff  }
0x7f: {  	s19 =	simm.s32 @!p1 $0x0;
	s17 =	sshll.u32 @!p1 s17, $0xB;
	s18 =	sadd.s32 @!p1 s18, s3;
	v16 =	vshll.u32 v27, v16;
	v2 =	vadd.f32 v17, v2;
	v17 =	vshrl.u32 v30, $0x1B;
	v23 =	vld.idx.msk [tilespmem:v26+s2+$0x0], $0xffff  }
0x80: {  	v3 =	vand.u32 $0xFFFF0000, v3;
	v16 =	vand.u32 $0xFFFF0000, v16;
	v24 =	vshrl.u32 v34, $0x1B;
	v22 =	vld.idx.msk [tilespmem:v22+s2+$0x0], $0xffff;
	[tilespmem:s19], [sflag:$0x1] =	stream.linear.gather @!p1 [hbm4b:s18+s19], $0x8000, $0x38  }
0x81: {  	s17 =	sadd.s32 @!p1 s17, s4;
	v25 =	vshrl.u32 v35, $0x1B;
	v27 =	vshrl.u32 v38, $0x1B;
	v30 =	vshrl.u32 v40, $0x1B;
	s18 =	simm.s32 @!p1 $0x10000  }
0x82: {  	v40 =	vshrl.u32 v43, $0x1B;
	v43 =	vshrl.u32 v47, $0x1B;
	v47 =	vshrl.u32 v51, $0x1B;
	[tilespmem:s18], [sflag:$0x2] =	stream.linear.gather @!p1 [hbm4b:s17+s19], $0x4000, $0x38;
	[tilespmem:$0x18100] =	vst v63  }
0x83: {  	v1 =	vadd.f32 v3, v1;
	v0 =	vadd.f32 v16, v0;
	_ =	swait.ge [sflag:s12], $0x8000;
	v17 =	vshll.u32 v36, v17  }
0x84: {  	v26 =	vshrl.u32 v37, $0x1B;
	v29 =	vshrl.u32 v39, $0x1B;
	[sflag:s12] =	ssyncset.done $0x0;
	v3 =	vand.u32 $0xFFFF0000, v17  }
0x85: {  	[sflag:s12] =	ssyncadd.s32 $0xFFFF8000;
	v17 =	vshrl.u32 v33, $0x1B;
	v16 =	vadd.f32 v3, v15;
	v3 =	vshrl.u32 v31, $0x1B  }
0x86: {  	_ =	swait.ge [sflag:s13], $0x4000;
	v15 =	vshrl.u32 v32, $0x1B;
	v31 =	vshrl.u32 v41, $0x1B;
	v3 =	vshll.u32 v42, v3  }
0x87: {  	v41 =	vshrl.u32 v45, $0x1B;
	[sflag:s13] =	ssyncset.done $0x0;
	v15 =	vshll.u32 v44, v15;
	v3 =	vand.u32 $0xFFFF0000, v3  }
0x88: {  	s31 =	simm.s32 $0x0;
	v45 =	vshrl.u32 v49, $0x1B;
	[sflag:s13] =	ssyncadd.s32 $0xFFFFC000;
	v15 =	vand.u32 $0xFFFF0000, v15;
	v13 =	vadd.f32 v3, v13  }
0x89: {  	v55 =	vld [tilespmem:s31+$0x140E0];
	v3 =	vshll.u32 v46, v17;
	v17 =	vshll.u32 v48, v24;
	v24 =	vadd.f32 v15, v8  }
0x8a: {  	v8 =	vshll.u32 v50, v25;
	v15 =	vshll.u32 v53, v27;
	v3 =	vand.u32 $0xFFFF0000, v3  }
0x8b: {  	v27 =	vld [tilespmem:s31+$0x14020];
	v8 =	vand.u32 $0xFFFF0000, v8;
	v37 =	vadd.f32 v3, v10;
	v3 =	vand.u32 $0xFFFF0000, v17  }
0x8c: {  	v50 =	vld [tilespmem:s31+$0x140C0];
	v25 =	vadd.f32 v3, v11;
	v3 =	vshll.u32 v52, v26;
	v26 =	vadd.f32 v8, v9  }
0x8d: {  	v10 =	vld [tilespmem:s31+$0x140F0];
	v8 =	vshll.u32 v54, v29;
	v9 =	vshll.u32 v21, v41;
	v3 =	vand.u32 $0xFFFF0000, v3  }
0x8e: {  	v21 =	vld [tilespmem:s31+$0x14070];
	v8 =	vand.u32 $0xFFFF0000, v8;
	v39 =	vand.u32 $0x7FFF, v55;
	v12 =	vadd.f32 v3, v12  }
0x8f: {  	v17 =	vld [tilespmem:s31+$0x14010];
	v3 =	vand.u32 $0xFFFF0000, v15;
	v15 =	vadd.f32 v8, v7;
	v7 =	vshll.u32 v63, v31  }
0x90: {  	v11 =	vld [tilespmem:s31+$0x14000];
	v31 =	vshrl.u32 v27, $0x1B;
	v29 =	vadd.f32 v3, v14;
	v3 =	vshll.u32 v28, v30  }
0x91: {  	v52 =	vld [tilespmem:s31+$0x140D0];
	v27 =	vand.u32 $0x7FFF, v27;
	v33 =	vand.u32 $0x7FFF, v50;
	v3 =	vand.u32 $0xFFFF0000, v3  }
0x92: {  	v28 =	vld [tilespmem:s31+$0x14030];
	v48 =	vand.u32 $0x7FFF, v10;
	v10 =	vshrl.u32 v10, $0x1B;
	v8 =	vadd.f32 v3, v6  }
0x93: {  	v30 =	vld [tilespmem:s31+$0x14040];
	v3 =	vand.u32 $0xFFFF0000, v7;
	v7 =	vshll.u32 v20, v40;
	v57 =	vshrl.u32 v21, $0x1B  }
0x94: {  	v6 =	vld [tilespmem:s31+$0x14050];
	v58 =	vand.u32 $0x7FFF, v21;
	v3 =	vadd.f32 v3, v5;
	v5 =	vand.u32 $0xFFFF0000, v7  }
0x95: {  	v20 =	vld [tilespmem:s31+$0x14060];
	v7 =	vand.u32 $0xFFFF0000, v9;
	v14 =	vadd.f32 v5, v4;
	v4 =	vshll.u32 v19, v43  }
0x96: {  	v9 =	vadd.f32 v7, v18;
	v5 =	vld [tilespmem:s31+$0x14080];
	v7 =	vshll.u32 v23, v45;
	v18 =	vshll.u32 v22, v47  }
0x97: {  	v22 =	vshrl.u32 v17, $0x1B;
	v17 =	vand.u32 $0x7FFF, v17;
	v23 =	vld [tilespmem:s31+$0x140B0];
	v7 =	vand.u32 $0xFFFF0000, v7  }
0x98: {  	v4 =	vand.u32 $0xFFFF0000, v4;
	v19 =	vld.idx.msk [tilespmem:v48+s8+$0x0], $0xffff;
	v1 =	vadd.f32 v7, v1;
	v7 =	vand.u32 $0x7FFF, v11  }
0x99: {  	v35 =	vand.u32 $0x7FFF, v52;
	v18 =	vand.u32 $0xFFFF0000, v18;
	v2 =	vadd.f32 v4, v2;
	v4 =	vld [tilespmem:s31+$0x14090]  }
0x9a: {  	v49 =	vshrl.u32 v28, $0x1B;
	v28 =	vand.u32 $0x7FFF, v28;
	v0 =	vadd.f32 v18, v0;
	v18 =	vld [tilespmem:s31+$0x140A0]  }
0x9b: {  	v27 =	vld.idx.msk [tilespmem:v27+s8+$0x0], $0xffff;
	v51 =	vshrl.u32 v30, $0x1B;
	v30 =	vand.u32 $0x7FFF, v30;
	v11 =	vshrl.u32 v11, $0x1B  }
0x9c: {  	v53 =	vshrl.u32 v6, $0x1B;
	v6 =	vand.u32 $0x7FFF, v6;
	v54 =	vshrl.u32 v20, $0x1B;
	v60 =	vld.idx.msk [tilespmem:v17+s8+$0x0], $0xffff  }
0x9d: {  	v56 =	vand.u32 $0x7FFF, v20;
	v59 =	vshrl.u32 v5, $0x1B;
	v5 =	vand.u32 $0x7FFF, v5;
	v7 =	vld.idx.msk [tilespmem:v7+s8+$0x0], $0xffff  }
0x9e: {  	v42 =	vld.idx.msk [tilespmem:v58+s8+$0x0], $0xffff;
	v21 =	vshrl.u32 v23, $0x1B;
	v23 =	vand.u32 $0x7FFF, v23;
	v17 =	vshrl.u32 v4, $0x1B  }
0x9f: {  	v28 =	vld.idx.msk [tilespmem:v28+s8+$0x0], $0xffff;
	v61 =	vand.u32 $0x7FFF, v4;
	v4 =	vshll.u32 v19, v10;
	v20 =	vshrl.u32 v18, $0x1B  }
0xa0: {  	v30 =	vld.idx.msk [tilespmem:v30+s8+$0x0], $0xffff;
	v62 =	vand.u32 $0x7FFF, v18;
	v19 =	vshrl.u32 v50, $0x1B;
	v4 =	vand.u32 $0xFFFF0000, v4  }
0xa1: {  	v18 =	vshrl.u32 v52, $0x1B;
	v63 =	vld.idx.msk [tilespmem:v6+s8+$0x0], $0xffff;
	v10 =	vadd.f32 v4, v16;
	v6 =	vshll.u32 v60, v22  }
0xa2: {  	v40 =	vld.idx.msk [tilespmem:v56+s8+$0x0], $0xffff;
	v16 =	vshrl.u32 v55, $0x1B;
	v6 =	vand.u32 $0xFFFF0000, v6;
	v4 =	vshll.u32 v7, v11  }
0xa3: {  	v7 =	vshll.u32 v27, v31;
	v27 =	vld.idx.msk [tilespmem:v5+s8+$0x0], $0xffff;
	v5 =	vadd.f32 v6, v24;
	v4 =	vand.u32 $0xFFFF0000, v4  }
0xa4: {  	v22 =	vld.idx.msk [tilespmem:v61+s8+$0x0], $0xffff;
	v6 =	vand.u32 $0xFFFF0000, v7;
	v7 =	vshll.u32 v28, v49;
	v4 =	vadd.f32 v4, v13  }
0xa5: {  	v24 =	vld.idx.msk [tilespmem:v62+s8+$0x0], $0xffff;
	v11 =	vadd.f32 v6, v37;
	v6 =	vand.u32 $0xFFFF0000, v7;
	v7 =	vshll.u32 v30, v51  }
0xa6: {  	v13 =	vshll.u32 v63, v53;
	v6 =	vadd.f32 v6, v25;
	v7 =	vand.u32 $0xFFFF0000, v7;
	v25 =	vld.idx.msk [tilespmem:v23+s8+$0x0], $0xffff  }
0xa7: {  	v13 =	vand.u32 $0xFFFF0000, v13;
	v23 =	vld.idx.msk [tilespmem:v33+s8+$0x0], $0xffff;
	v7 =	vadd.f32 v7, v26;
	v26 =	vshll.u32 v40, v54  }
0xa8: {  	v28 =	vshll.u32 v42, v57;
	v12 =	vadd.f32 v13, v12;
	v13 =	vand.u32 $0xFFFF0000, v26;
	v26 =	vld.idx.msk [tilespmem:v35+s8+$0x0], $0xffff  }
0xa9: {  	s18 =	simm.s32 $0x100;
	s17 =	simm.s32 $0x800;
	v28 =	vand.u32 $0xFFFF0000, v28;
	v13 =	vadd.f32 v13, v29;
	v29 =	vshll.u32 v27, v59;
	v27 =	vld.idx.msk [tilespmem:v39+s8+$0x0], $0xffff  }
.LBB2_5:
0xaa: {  	p1 =	sne.s32 s17, $0xFC00;
	v30 =	vld [tilespmem:s18+$0x140F0];
	v15 =	vadd.f32 v28, v15;
	v28 =	vand.u32 $0xFFFF0000, v29;
	v17 =	vshll.u32 v22, v17  }
0xab: {  	v20 =	vshll.u32 v24, v20;
	v22 =	vld [tilespmem:s18+$0x14000];
	v8 =	vadd.f32 v28, v8;
	v17 =	vand.u32 $0xFFFF0000, v17  }
0xac: {  	v24 =	vld [tilespmem:s18+$0x14010];
	v3 =	vadd.f32 v17, v3;
	v17 =	vand.u32 $0xFFFF0000, v20;
	v20 =	vshll.u32 v25, v21  }
0xad: {  	v19 =	vshll.u32 v23, v19;
	v21 =	vld [tilespmem:s18+$0x14020];
	v14 =	vadd.f32 v17, v14;
	v17 =	vand.u32 $0xFFFF0000, v20  }
0xae: {  	v18 =	vshll.u32 v26, v18;
	v20 =	vld [tilespmem:s18+$0x14030];
	v9 =	vadd.f32 v17, v9;
	v17 =	vand.u32 $0xFFFF0000, v19  }
0xaf: {  	v18 =	vand.u32 $0xFFFF0000, v18;
	v16 =	vshll.u32 v27, v16;
	v19 =	vld [tilespmem:s18+$0x14040];
	v23 =	vand.u32 $0x7FFF, v30  }
0xb0: {  	v16 =	vand.u32 $0xFFFF0000, v16;
	v25 =	vshrl.u32 v22, $0x1B;
	v22 =	vand.u32 $0x7FFF, v22;
	v26 =	vld [tilespmem:s18+$0x14050]  }
0xb1: {  	v2 =	vadd.f32 v17, v2;
	v27 =	vshrl.u32 v24, $0x1B;
	v24 =	vand.u32 $0x7FFF, v24;
	v28 =	vld [tilespmem:s18+$0x14060]  }
0xb2: {  	v1 =	vadd.f32 v18, v1;
	v29 =	vshrl.u32 v21, $0x1B;
	v31 =	vand.u32 $0x7FFF, v21;
	v17 =	vld [tilespmem:s18+$0x14070]  }
0xb3: {  	v0 =	vadd.f32 v16, v0;
	v32 =	vshrl.u32 v20, $0x1B;
	v18 =	vand.u32 $0x7FFF, v20;
	v20 =	vld [tilespmem:s18+$0x14080]  }
0xb4: {  	v33 =	vshrl.u32 v19, $0x1B;
	v16 =	vand.u32 $0x7FFF, v19;
	v19 =	vld.idx.msk [tilespmem:v23+s8+$0x0], $0xffff  }
0xb5: {  	v23 =	vshrl.u32 v26, $0x1B;
	v26 =	vand.u32 $0x7FFF, v26;
	v21 =	vld [tilespmem:s18+$0x14090]  }
0xb6: {  	v34 =	vshrl.u32 v28, $0x1B;
	v28 =	vand.u32 $0x7FFF, v28;
	v35 =	vld [tilespmem:s18+$0x140A0]  }
0xb7: {  	v36 =	vshrl.u32 v17, $0x1B;
	v37 =	vand.u32 $0x7FFF, v17;
	v38 =	vld [tilespmem:s18+$0x140B0]  }
0xb8: {  	v39 =	vshrl.u32 v20, $0x1B;
	v40 =	vand.u32 $0x7FFF, v20;
	v41 =	vld [tilespmem:s18+$0x140C0]  }
0xb9: {  	v20 =	vshrl.u32 v30, $0x1B;
	v42 =	vld [tilespmem:s18+$0x140D0]  }
0xba: {  	v19 =	vshll.u32 v19, v20;
	v17 =	vshrl.u32 v21, $0x1B;
	v30 =	vand.u32 $0x7FFF, v21;
	v43 =	vld [tilespmem:s18+$0x140E0]  }
0xbb: {  	v19 =	vand.u32 $0xFFFF0000, v19;
	v22 =	vld.idx.msk [tilespmem:v22+s8+$0x0], $0xffff;
	v20 =	vshrl.u32 v35, $0x1B;
	v35 =	vand.u32 $0x7FFF, v35  }
0xbc: {  	v10 =	vadd.f32 v19, v10;
	v24 =	vld.idx.msk [tilespmem:v24+s8+$0x0], $0xffff;
	v21 =	vshrl.u32 v38, $0x1B;
	v38 =	vand.u32 $0x7FFF, v38  }
0xbd: {  	v31 =	vld.idx.msk [tilespmem:v31+s8+$0x0], $0xffff;
	v19 =	vshrl.u32 v41, $0x1B;
	v41 =	vand.u32 $0x7FFF, v41  }
0xbe: {  	v44 =	vld.idx.msk [tilespmem:v18+s8+$0x0], $0xffff;
	v18 =	vshrl.u32 v42, $0x1B;
	v42 =	vand.u32 $0x7FFF, v42  }
0xbf: {  	v45 =	vld.idx.msk [tilespmem:v16+s8+$0x0], $0xffff;
	v16 =	vshrl.u32 v43, $0x1B;
	v43 =	vand.u32 $0x7FFF, v43  }
0xc0: {  	v26 =	vld.idx.msk [tilespmem:v26+s8+$0x0], $0xffff  }
0xc1: {  	v22 =	vshll.u32 v22, v25;
	v28 =	vld.idx.msk [tilespmem:v28+s8+$0x0], $0xffff  }
0xc2: {  	v22 =	vand.u32 $0xFFFF0000, v22;
	v24 =	vshll.u32 v24, v27;
	v27 =	vld.idx.msk [tilespmem:v37+s8+$0x0], $0xffff  }
0xc3: {  	v4 =	vadd.f32 v22, v4;
	v22 =	vand.u32 $0xFFFF0000, v24;
	v24 =	vshll.u32 v31, v29;
	v29 =	vld.idx.msk [tilespmem:v40+s8+$0x0], $0xffff  }
0xc4: {  	v5 =	vadd.f32 v22, v5;
	v24 =	vand.u32 $0xFFFF0000, v24;
	v25 =	vshll.u32 v44, v32;
	v22 =	vld.idx.msk [tilespmem:v30+s8+$0x0], $0xffff  }
.Ltmp1:
0xc5: {  	v11 =	vadd.f32 v24, v11;
	v25 =	vand.u32 $0xFFFF0000, v25;
	v30 =	vshll.u32 v45, v33;
	v24 =	vld.idx.msk [tilespmem:v35+s8+$0x0], $0xffff;
	(pc) =	sbr.rel @p1 .LBB2_5-.Ltmp1, $4  }
0xc6: {  	v6 =	vadd.f32 v25, v6;
	v30 =	vand.u32 $0xFFFF0000, v30;
	v23 =	vshll.u32 v26, v23;
	v25 =	vld.idx.msk [tilespmem:v38+s8+$0x0], $0xffff  }
0xc7: {  	v7 =	vadd.f32 v30, v7;
	v26 =	vand.u32 $0xFFFF0000, v23;
	v28 =	vshll.u32 v28, v34;
	v23 =	vld.idx.msk [tilespmem:v41+s8+$0x0], $0xffff  }
0xc8: {  	v12 =	vadd.f32 v26, v12;
	v28 =	vand.u32 $0xFFFF0000, v28;
	v27 =	vshll.u32 v27, v36;
	v26 =	vld.idx.msk [tilespmem:v42+s8+$0x0], $0xffff  }
0xc9: {  	s18 =	sshra.s32 s17, $0x2;
	s17 =	sadd.s32 $0x400, s17;
	v13 =	vadd.f32 v28, v13;
	v28 =	vand.u32 $0xFFFF0000, v27;
	v29 =	vshll.u32 v29, v39;
	v27 =	vld.idx.msk [tilespmem:v43+s8+$0x0], $0xffff  }
0xca: {  	v30 =	vld [tilespmem:s18+$0x140F0]  }
0xcb: {  	v31 =	vld [tilespmem:s18+$0x14000]  }
0xcc: {  	v32 =	vld [tilespmem:s18+$0x14010]  }
0xcd: {  	v33 =	vld [tilespmem:s18+$0x14020]  }
0xce: {  	v34 =	vld [tilespmem:s18+$0x14030]  }
0xcf: {  	v62 =	vld [tilespmem:s18+$0x14040]  }
0xd0: {  	v15 =	vadd.f32 v28, v15;
	v61 =	vand.u32 $0xFFFF0000, v29;
	v17 =	vshll.u32 v22, v17;
	v22 =	vld [tilespmem:s18+$0x14060]  }
0xd1: {  	v47 =	vld [tilespmem:s18+$0x14090];
	v28 =	vadd.f32 v61, v8;
	v8 =	vshll.u32 v24, v20;
	v17 =	vand.u32 $0xFFFF0000, v17  }
0xd2: {  	v50 =	vld [tilespmem:s18+$0x140A0];
	v21 =	vshll.u32 v25, v21;
	v8 =	vand.u32 $0xFFFF0000, v8;
	v3 =	vadd.f32 v17, v3  }
0xd3: {  	v54 =	vld [tilespmem:s18+$0x140C0];
	v19 =	vshll.u32 v23, v19;
	v63 =	vadd.f32 v8, v14;
	v8 =	vand.u32 $0xFFFF0000, v21  }
0xd4: {  	v37 =	vld [tilespmem:s18+$0x140D0];
	v44 =	vand.u32 $0xFFFF0000, v19;
	v21 =	vadd.f32 v8, v9;
	v8 =	vshll.u32 v26, v18  }
0xd5: {  	v39 =	vld [tilespmem:s18+$0x140E0];
	v16 =	vshll.u32 v27, v16;
	v2 =	vadd.f32 v44, v2;
	v35 =	vand.u32 $0x7FFF, v30  }
0xd6: {  	v20 =	vld [tilespmem:s18+$0x14050];
	v8 =	vand.u32 $0xFFFF0000, v8;
	v23 =	vshrl.u32 v31, $0x1B;
	v46 =	vand.u32 $0x7FFF, v31  }
0xd7: {  	v14 =	vld [tilespmem:s18+$0x14070];
	v16 =	vand.u32 $0xFFFF0000, v16;
	v48 =	vshrl.u32 v32, $0x1B;
	v49 =	vand.u32 $0x7FFF, v32  }
0xd8: {  	v51 =	vshrl.u32 v33, $0x1B;
	v52 =	vand.u32 $0x7FFF, v33;
	v1 =	vadd.f32 v8, v1;
	v8 =	vld [tilespmem:s18+$0x140B0]  }
0xd9: {  	v9 =	vld [tilespmem:s18+$0x14080];
	v53 =	vshrl.u32 v34, $0x1B;
	v34 =	vand.u32 $0x7FFF, v34;
	v55 =	vshrl.u32 v62, $0x1B  }
0xda: {  	v29 =	vand.u32 $0x7FFF, v62;
	v38 =	vshrl.u32 v22, $0x1B;
	v22 =	vand.u32 $0x7FFF, v22;
	v45 =	vld.idx.msk [tilespmem:v35+s8+$0x0], $0xffff  }
0xdb: {  	v30 =	vshrl.u32 v30, $0x1B;
	v36 =	vshrl.u32 v20, $0x1B;
	v20 =	vand.u32 $0x7FFF, v20;
	v24 =	vld.idx.msk [tilespmem:v46+s8+$0x0], $0xffff  }
0xdc: {  	v42 =	vshrl.u32 v47, $0x1B;
	v25 =	vand.u32 $0x7FFF, v47;
	v56 =	vshrl.u32 v50, $0x1B;
	v27 =	vld.idx.msk [tilespmem:v49+s8+$0x0], $0xffff  }
0xdd: {  	v18 =	vand.u32 $0x7FFF, v50;
	v57 =	vshrl.u32 v54, $0x1B;
	v32 =	vld.idx.msk [tilespmem:v52+s8+$0x0], $0xffff;
	v44 =	vand.u32 $0x7FFF, v8  }
0xde: {  	v0 =	vadd.f32 v16, v0;
	v40 =	vshrl.u32 v14, $0x1B;
	v14 =	vand.u32 $0x7FFF, v14;
	v34 =	vld.idx.msk [tilespmem:v34+s8+$0x0], $0xffff  }
0xdf: {  	v16 =	vand.u32 $0x7FFF, v54;
	v41 =	vshrl.u32 v9, $0x1B;
	v9 =	vand.u32 $0x7FFF, v9;
	v29 =	vld.idx.msk [tilespmem:v29+s8+$0x0], $0xffff  }
0xe0: {  	v46 =	vshrl.u32 v39, $0x1B;
	v39 =	vand.u32 $0x7FFF, v39;
	v20 =	vld.idx.msk [tilespmem:v20+s8+$0x0], $0xffff;
	v19 =	vshll.u32 v45, v30  }
0xe1: {  	v58 =	vld.idx.msk [tilespmem:v22+s8+$0x0], $0xffff;
	v43 =	vshrl.u32 v8, $0x1B;
	v45 =	vshrl.u32 v37, $0x1B;
	v19 =	vand.u32 $0xFFFF0000, v19  }
0xe2: {  	v37 =	vand.u32 $0x7FFF, v37;
	v61 =	vld.idx.msk [tilespmem:v44+s8+$0x0], $0xffff;
	v8 =	vadd.f32 v19, v10;
	v10 =	vshll.u32 v24, v23  }
0xe3: {  	v14 =	vld.idx.msk [tilespmem:v14+s8+$0x0], $0xffff;
	v22 =	vshll.u32 v27, v48;
	v59 =	vshll.u32 v32, v51;
	v10 =	vand.u32 $0xFFFF0000, v10  }
0xe4: {  	v60 =	vld.idx.msk [tilespmem:v9+s8+$0x0], $0xffff;
	v9 =	vand.u32 $0xFFFF0000, v59;
	v23 =	vadd.f32 v10, v4;
	v4 =	vand.u32 $0xFFFF0000, v22  }
0xe5: {  	v20 =	vshll.u32 v20, v36;
	v22 =	vadd.f32 v4, v5;
	v4 =	vshll.u32 v34, v53  }
0xe6: {  	v10 =	vadd.f32 v9, v11;
	v9 =	vshll.u32 v29, v55;
	v5 =	vld.idx.msk [tilespmem:v25+s8+$0x0], $0xffff;
	v4 =	vand.u32 $0xFFFF0000, v4  }
0xe7: {  	v18 =	vld.idx.msk [tilespmem:v18+s8+$0x0], $0xffff;
	v62 =	vshll.u32 v61, v43;
	v11 =	vadd.f32 v4, v6;
	v4 =	vand.u32 $0xFFFF0000, v9  }
0xe8: {  	v16 =	vld.idx.msk [tilespmem:v16+s8+$0x0], $0xffff;
	v6 =	vand.u32 $0xFFFF0000, v20;
	v9 =	vadd.f32 v4, v7;
	v4 =	vshll.u32 v58, v38  }
0xe9: {  	v20 =	vld.idx.msk [tilespmem:v37+s8+$0x0], $0xffff;
	v12 =	vadd.f32 v6, v12;
	v6 =	vshll.u32 v14, v40;
	v4 =	vand.u32 $0xFFFF0000, v4  }
0xea: {  	v7 =	vshll.u32 v60, v41;
	v14 =	vadd.f32 v4, v13;
	v4 =	vand.u32 $0xFFFF0000, v6;
	v13 =	vld.idx.msk [tilespmem:v39+s8+$0x0], $0xffff  }
0xeb: {  	v6 =	vand.u32 $0xFFFF0000, v7;
	v7 =	vadd.f32 v4, v15;
	v4 =	vshll.u32 v5, v42  }
0xec: {  	v6 =	vadd.f32 v6, v28;
	v15 =	vshll.u32 v18, v56;
	v4 =	vand.u32 $0xFFFF0000, v4  }
.Ltmp2:
0xed: {  	v5 =	vadd.f32 v4, v3;
	v3 =	vand.u32 $0xFFFF0000, v15;
	v15 =	vand.u32 $0xFFFF0000, v62;
	(pc) =	sbr.rel @p0 .LBB2_2-.Ltmp2, $4  }
0xee: {  	v16 =	vshll.u32 v16, v57;
	v4 =	vadd.f32 v3, v63;
	v3 =	vadd.f32 v15, v21  }
0xef: {  	v15 =	vand.u32 $0xFFFF0000, v16;
	v63 =	vshll.u32 v20, v45;
	v13 =	vshll.u32 v13, v46  }
0xf0: {  	v16 =	vand.u32 $0xFFFF0000, v63;
	v2 =	vadd.f32 v15, v2;
	v13 =	vand.u32 $0xFFFF0000, v13  }
0xf1: {  	s17 =	simm.s32 $0x2;
	p2 =	por $0x0, $0x0;
	p1 =	por $0x1, $0x1;
	v1 =	vadd.f32 v16, v1;
	v0 =	vadd.f32 v13, v0  }
0xf2: {  	[tilespmem:$0x18000] =	vst v23  }
0xf3: {  	[tilespmem:$0x18010] =	vst v22  }
0xf4: {  	[tilespmem:$0x18020] =	vst v10  }
0xf5: {  	[tilespmem:$0x18030] =	vst v11  }
0xf6: {  	[tilespmem:$0x18040] =	vst v9  }
0xf7: {  	[tilespmem:$0x18050] =	vst v12  }
0xf8: {  	[tilespmem:$0x18060] =	vst v14  }
0xf9: {  	[tilespmem:$0x18070] =	vst v7  }
0xfa: {  	[tilespmem:$0x18080] =	vst v6  }
0xfb: {  	[tilespmem:$0x18090] =	vst v5  }
0xfc: {  	[tilespmem:$0x180A0] =	vst v4  }
0xfd: {  	[tilespmem:$0x180B0] =	vst v3  }
0xfe: {  	[tilespmem:$0x180C0] =	vst v2  }
0xff: {  	[tilespmem:$0x180F0] =	vst v8;
	s16 =	sadd.s32 $0x1, s16  }
0x100: {  	[tilespmem:$0x180D0] =	vst v1;
	p0 =	sne.s32 s16, s6  }
.Ltmp3:
0x101: {  	[tilespmem:$0x180E0] =	vst v0;
	(pc) =	sbr.rel @p0 .LBB2_1-.Ltmp3, $4  }
0x102: {  	[hbm4b:s5+s2] =	stream.linear.scatter [tilespmem:s14], [sflag:$0x5], $0x100, $0x38;
	[tilespmem:$0x18100] =	vst v63  }
0x103: {  	_ =	swait.ge [sflag:s15], $0x100  }
0x104: {  	[sflag:s15] =	ssyncset.done $0x0  }
0x105: {  	[sflag:s15] =	ssyncadd.s32 $0xFFFFFF00  }
0x106: {  	_ =	sfence.sel $0x180000  }
0x107: {  	[bflag:$0x0] =	sbarrier.arrive $0xFFFF  }
0x108: {  	p0 =	sne.s32 s0, $0x0;
	_ =	strace $0x90000047  }
0x109: {  	s0 =	sadd.s32 @!p0 $0x100000, s1;
	[bflag:$0x2] =	sbarrier.arrive $0xFFFF  }
0x10a: {  	[sflag:s0] =	ssyncadd.tile.s32 @!p0 $0x1;
	_ =	shalt  }
.Lfunc_end2:
_tile_overlayer_lowered:
.L_overlay_start_2:
0x10b: {  	(tag) =	ssettag $0x2  }
0x10c: {  	s0 =	rddreg [dreg:$0x0];
	s2 =	stileid.u32  }
0x10d: {  	s1 =	rddreg [dreg:$0x1];
	p0 =	sne.s32 s2, $0x0  }
0x10e: {  	s3 =	rddreg [dreg:$0x2];
	[bflag:$0x3] =	sbarrier.arrive $0xFFFF;
	s2 =	simm.s32 @!p0 $0x1C05  }
0x10f: {  	[timem:s3], [sflag:s2] =	dma.local @!p0 [hbm:s0], s1  }
0x110: {  	s0 =	simm.s32 @!p0 $0x5  }
0x111: {  	_ =	swait.ge @!p0 [sflag:s0], s1  }
0x112: {  	s1 =	ssub.s32 @!p0 $0x0, s1;
	[sflag:s0] =	ssyncset.done @!p0 $0x0  }
0x113: {  	[sflag:s0] =	ssyncadd.s32 @!p0 s1  }
0x114: {  	[bflag:$0x3] =	sbarrier.arrive $0xFFFF  }
0x115: {  	_ =	shalt  }

</sc_bundles>
